<compile_context>
chip_gen: v7x
topology: tpu7x:2x2x1
jax: 0.10.2.dev20260603
libtpu: 0.0.44.dev20260713+nightly
codegen_flags: <defaults>
</compile_context>

<pallas_src>
import functools

import numpy as np
import jax
import jax.numpy as jnp
from jax import lax
from jax.experimental import pallas as pl
from jax.experimental.pallas import tpu as pltpu
from jax.experimental.pallas import tpu_sc as plsc

_L, _H, _D, _U = 4096, 12, 64, 45
_QB = 512
_PREC = lax.Precision.HIGHEST



def _threefry2x32(k0, k1, x0, x1):
    def rotl(x, d):
        return ((x << np.uint32(d)) | (x >> np.uint32(32 - d))).astype(np.uint32)

    rots = ((13, 15, 26, 6), (17, 29, 16, 24))
    ks = (np.uint32(k0), np.uint32(k1),
          np.uint32(k0) ^ np.uint32(k1) ^ np.uint32(0x1BD11BDA))
    x0 = (x0 + ks[0]).astype(np.uint32)
    x1 = (x1 + ks[1]).astype(np.uint32)
    for i in range(5):
        for r in rots[i % 2]:
            x0 = (x0 + x1).astype(np.uint32)
            x1 = rotl(x1, r) ^ x0
        x0 = (x0 + ks[(i + 1) % 3]).astype(np.uint32)
        x1 = (x1 + ks[(i + 2) % 3] + np.uint32(i + 1)).astype(np.uint32)
    return x0, x1


def _sample_indices(seed, L, U):
    b1, b2 = _threefry2x32(np.uint32(0), np.uint32(seed),
                           np.zeros(2, np.uint32), np.arange(2, dtype=np.uint32))
    n = L * U
    c1, c2 = _threefry2x32(b1[1], b2[1],
                           np.zeros(n, np.uint32), np.arange(n, dtype=np.uint32))
    return ((c1 ^ c2) % np.uint32(L)).astype(np.int32).reshape(L, U)


_idx_np = _sample_indices(42, _L, _U)
_counts_np = np.zeros((_L, _L), np.uint8)
np.add.at(_counts_np, (np.arange(_L)[:, None], _idx_np), 1)
del _idx_np


def _m_body(q_ref, k_ref, c_ref, m_ref):
    qb = pl.program_id(1)
    q = q_ref[0]
    maxp = None
    sump = None
    kc = 1024
    for t in range(_L // kc):
        s = lax.dot_general(q, k_ref[0, pl.ds(t * kc, kc), :],
                            (((1,), (1,)), ((), ())),
                            preferred_element_type=jnp.float32,
                            precision=_PREC)
        cf = c_ref[pl.ds(qb * _QB, _QB),
                   pl.ds(t * kc, kc)].astype(jnp.float32)
        mx = jnp.max(jnp.where(cf > 0.0, s, -jnp.inf), axis=1)
        sm = jnp.sum(s * cf, axis=1)
        maxp = mx if maxp is None else jnp.maximum(maxp, mx)
        sump = sm if sump is None else sump + sm
    m_ref[0, 0, :] = maxp - sump * (1.0 / _L)


_m_call = pl.pallas_call(
    _m_body,
    grid=(_H, _L // _QB),
    in_specs=[
        pl.BlockSpec((1, _QB, _D), lambda h, qb: (h, qb, 0)),
        pl.BlockSpec((1, _L, _D), lambda h, qb: (h, 0, 0)),
        pl.BlockSpec((_L, _L), lambda h, qb: (0, 0)),
    ],
    out_specs=pl.BlockSpec((1, 1, _QB), lambda h, qb: (h * (_L // _QB) + qb, 0, 0)),
    out_shape=jax.ShapeDtypeStruct((_H * (_L // _QB), 1, _QB), jnp.float32),
)


def _sel_body(m_ref, q_ref, k_ref, v_ref, a_ref, gi_ref, mb_ref, ms_ref, qr_ref):
    h = pl.program_id(0)
    ms_ref[...] = m_ref[pl.ds(h, 1), :]
    qr_ref[...] = jnp.zeros((48, _D), jnp.float32)
    ii = lax.broadcasted_iota(jnp.int32, (1, _L), 1)
    i48 = lax.broadcasted_iota(jnp.int32, (1, 48), 1)

    def body(i, gvec):
        row = ms_ref[...]
        mx = jnp.max(row)
        idx = jnp.min(jnp.where(row == mx, ii, jnp.int32(_L)))
        qr_ref[pl.ds(i, 1), :] = q_ref[0, pl.ds(idx, 1), :]
        ms_ref[...] = jnp.where(ii == idx, -jnp.inf, row)
        return jnp.where(i48 == i, idx * _H + h, gvec)

    gvec = lax.fori_loop(0, _U, body, jnp.full((1, 48), _L * _H, jnp.int32))
    gi_ref[...] = gvec.reshape(1, 1, 48)
    scores = lax.dot_general(qr_ref[...], k_ref[0], (((1,), (1,)), ((), ())),
                             preferred_element_type=jnp.float32,
                             precision=_PREC) * 0.125
    smax = jnp.max(scores, axis=1, keepdims=True)
    p = jnp.exp(scores - smax)
    attn = p / jnp.sum(p, axis=1, keepdims=True)
    a_ref[0] = lax.dot_general(attn, v_ref[0], (((1,), (0,)), ((), ())),
                               preferred_element_type=jnp.float32,
                               precision=_PREC)
    vmean = jnp.sum(v_ref[0], axis=0, keepdims=True) * (1.0 / _L)
    mb_ref[0, 0] = jnp.broadcast_to(vmean, (8, _D))


_sel_call = pl.pallas_call(
    _sel_body,
    grid=(_H,),
    in_specs=[
        pl.BlockSpec((_H, _L), lambda h: (0, 0)),
        pl.BlockSpec((1, _L, _D), lambda h: (h, 0, 0)),
        pl.BlockSpec((1, _L, _D), lambda h: (h, 0, 0)),
        pl.BlockSpec((1, _L, _D), lambda h: (h, 0, 0)),
    ],
    out_specs=[
        pl.BlockSpec((1, 48, _D), lambda h: (h, 0, 0)),
        pl.BlockSpec((1, 1, 48), lambda h: (h, 0, 0)),
        pl.BlockSpec((1, 1, 8, _D), lambda h: (h, 0, 0, 0)),
    ],
    out_shape=[
        jax.ShapeDtypeStruct((_H, 48, _D), jnp.float32),
        jax.ShapeDtypeStruct((_H, 1, 48), jnp.int32),
        jax.ShapeDtypeStruct((_H, 1, 8, _D), jnp.float32),
    ],
    scratch_shapes=[
        pltpu.VMEM((1, _L), jnp.float32),
        pltpu.VMEM((48, _D), jnp.float32),
    ],
)

_ROWS = _L * _H
_FILL = 1536
_TRASH = 1024


@functools.cache
def _build_assemble():
    @functools.partial(
        pl.kernel,
        out_type=jax.ShapeDtypeStruct((_ROWS + _TRASH, _D), jnp.float32),
        mesh=plsc.VectorSubcoreMesh(core_axis_name="c", subcore_axis_name="s"),
        compiler_params=pltpu.CompilerParams(use_tc_tiling_on_sc=False),
        scratch_types=[
            pltpu.VMEM((96, _D), jnp.float32),
            pltpu.VMEM((1024,), jnp.int32),
            pltpu.VMEM((1024,), jnp.int32),
            pltpu.VMEM((1024, _D), jnp.float32),
            pltpu.SemaphoreType.DMA,
            pltpu.SemaphoreType.DMA,
        ],
    )
    def _assemble(mp_hbm, a_hbm, gi_hbm, out_hbm,
                  blk_v, idxa_v, idxb_v, rows_v, sem_f, sem_s):
        w = lax.axis_index("s") * 2 + lax.axis_index("c")
        lo = w * _FILL
        pltpu.sync_copy(mp_hbm, blk_v)
        pltpu.sync_copy(gi_hbm, idxa_v)
        pltpu.sync_copy(a_hbm, rows_v)
        lane = lax.iota(jnp.int32, 16)
        for j in range(1024 // 16):
            x = idxa_v[pl.ds(j * 16, 16)]
            ok = (x >= lo) & (x < lo + _FILL)
            idxb_v[pl.ds(j * 16, 16)] = jnp.where(ok, x, _ROWS + j * 16 + lane)
        copies = [
            pltpu.async_copy(blk_v, out_hbm.at[pl.ds(w * _FILL + i * 96, 96)], sem_f)
            for i in range(_FILL // 96)
        ]
        for cp in copies:
            cp.wait()
        pltpu.async_copy(rows_v, out_hbm.at[idxb_v], sem_s).wait()

    return _assemble


def kernel(queries, keys, values, attn_mask):
    q2 = queries[0].transpose(1, 0, 2)
    k2 = keys[0].transpose(1, 0, 2)
    v2 = values[0].transpose(1, 0, 2)
    counts = jnp.asarray(_counts_np)
    m2 = _m_call(q2, k2, counts).reshape(_H, _L)
    a48, gi3, mb4 = _sel_call(m2, q2, k2, v2)
    meanpat = mb4.reshape(_H, 8, _D).transpose(1, 0, 2).reshape(96, _D)
    gidx = gi3.reshape(_H, 48)[:, :_U].reshape(-1)
    a540 = a48[:, :_U, :].reshape(-1, _D)
    gpad = jnp.full((1024,), _ROWS, jnp.int32).at[:540].set(gidx)
    apad = jnp.zeros((1024, _D), jnp.float32).at[:540].set(a540)
    out = _build_assemble()(meanpat, apad, gpad)
    return out[:_ROWS].reshape(1, _L, _H, _D)

# --- scband reference (transcript-rebuilt; emitter-appended) ---
"""Pipeline reference for scband-prob-attention-47622597378699 (READ-ONLY COPY).

The authoritative reference and input builder live on the scoring server;
editing this copy changes nothing except your own understanding.
"""

import jax, jax.numpy as jnp
import numpy as np
from math import sqrt


def setup_inputs(seed: int = 0):
    key = jax.random.key(seed)
    k1, k2, k3 = jax.random.split(key, 3)
    B, L, H, D = 1, 4096, 12, 64
    return {
        "queries": jax.random.normal(k1, (B, L, H, D), dtype=jnp.float32),
        "keys": jax.random.normal(k2, (B, L, H, D), dtype=jnp.float32),
        "values": jax.random.normal(k3, (B, L, H, D), dtype=jnp.float32),
        "attn_mask": jnp.zeros((1,), dtype=bool),
    }


def _prob_attention(queries, keys, values):
    # ProbAttention with mask_flag=False, factor=5, scale=None, output_attention=False
    factor = 5
    B, L_Q, H, D = queries.shape
    L_K = keys.shape[1]
    Q = jnp.transpose(queries, (0, 2, 1, 3))  # [B,H,L_Q,D]
    K = jnp.transpose(keys, (0, 2, 1, 3))     # [B,H,L_K,D]
    V = jnp.transpose(values, (0, 2, 1, 3))   # [B,H,L_K,D]
    U_part = min(factor * int(np.ceil(np.log(L_K))), L_K)
    u = min(factor * int(np.ceil(np.log(L_Q))), L_Q)
    # _prob_QK: random key sampling per query (fixed key for determinism)
    skey = jax.random.key(42)
    index_sample = jax.random.randint(skey, (L_Q, U_part), 0, L_K)  # [L_Q, U_part]
    K_sample = K[:, :, index_sample, :]                              # gather -> [B,H,L_Q,U_part,D]
    Q_K_sample = jnp.einsum('bhqe,bhqke->bhqk', Q, K_sample)         # [B,H,L_Q,U_part]
    M = Q_K_sample.max(axis=-1) - Q_K_sample.sum(axis=-1) / L_K     # sparsity measure [B,H,L_Q]
    _, M_top = jax.lax.top_k(M, u)                                   # [B,H,u]
    Q_reduce = jnp.take_along_axis(Q, M_top[..., None], axis=2)      # [B,H,u,D]
    scores = jnp.einsum('bhqe,bhke->bhqk', Q_reduce, K)              # [B,H,u,L_K]
    scale = 1.0 / sqrt(D)
    scores = scores * scale
    # _get_initial_context (mask_flag=False): mean of V broadcast over L_Q
    context = jnp.broadcast_to(jnp.mean(V, axis=2, keepdims=True), (B, H, L_Q, D))
    # _update_context
    attn = jax.nn.softmax(scores, axis=-1)
    A = jnp.einsum('bhal,bhld->bhad', attn, V)                       # [B,H,u,D]
    b_idx = jnp.arange(B)[:, None, None]
    h_idx = jnp.arange(H)[None, :, None]
    context = context.at[b_idx, h_idx, M_top].set(A)                 # scatter-overwrite
    return jnp.transpose(context, (0, 2, 1, 3))                      # [B,L_Q,H,D]


def reference(queries, keys, values, attn_mask):
    # attn_mask is unused when mask_flag=False; output_attention=False -> attn is None
    out = _prob_attention(queries, keys, values)
    return out

if __name__ == "__main__":
    import jax
    _d = setup_inputs()
    print(jax.jit(kernel)(*tuple(_d.values())))

</pallas_src>

<mosaic_0001>
#map = affine_map<(d0, d1) -> (0, 0)>
#map1 = affine_map<(d0, d1) -> (0)>
module attributes {stable_mosaic.version = 14 : i64} {
  func.func @_assemble(%arg0: i32, %arg1: i32, %arg2: memref<96x64xf32, #tpu.memory_space<hbm>>, %arg3: memref<1024x64xf32, #tpu.memory_space<hbm>>, %arg4: memref<1024xi32, #tpu.memory_space<hbm>>, %arg5: memref<50176x64xf32, #tpu.memory_space<hbm>>, %arg6: memref<96x64xf32, #tpu.memory_space<vmem>>, %arg7: memref<1024xi32, #tpu.memory_space<vmem>>, %arg8: memref<1024xi32, #tpu.memory_space<vmem>>, %arg9: memref<1024x64xf32, #tpu.memory_space<vmem>>, %arg10: memref<!tpu.dma_semaphore, #tpu.memory_space<semaphore_mem>>, %arg11: memref<!tpu.dma_semaphore, #tpu.memory_space<semaphore_mem>>) attributes {dimension_semantics = [#tpu.dimension_semantics<core_parallel>, #tpu.dimension_semantics<subcore_parallel>], iteration_bounds = array<i64: 2, 16>, scalar_prefetch = 0 : i64, scratch_operands = 6 : i64, tpu.core_type = #tpu.core_type<sc_vector_subcore>, window_params = [{transform_indices = #map}, {transform_indices = #map}, {transform_indices = #map1}, {transform_indices = #map}]} {
    %mul3A = arith.constant 2 : i32
    %mul3A_0 = arith.muli %arg1, %mul3A : i32
    %add3A = arith.addi %mul3A_0, %arg0 : i32
    %mul3A_1 = arith.constant 1536 : i32
    %mul3A_2 = arith.muli %add3A, %mul3A_1 : i32
    "tpu.region"() ({
      %run_scoped3A = tpu.sem_alloc : memref<!tpu.dma_semaphore, #tpu.memory_space<semaphore_mem>>
      tpu.enqueue_dma source(%arg2 : memref<96x64xf32, #tpu.memory_space<hbm>>) target(%arg6 : memref<96x64xf32, #tpu.memory_space<vmem>>) target_semaphore(%run_scoped3A : memref<!tpu.dma_semaphore, #tpu.memory_space<semaphore_mem>>)
      tpu.wait_dma2 semaphore(%run_scoped3A : memref<!tpu.dma_semaphore, #tpu.memory_space<semaphore_mem>>) src(%arg2 : memref<96x64xf32, #tpu.memory_space<hbm>>) dst(%arg6 : memref<96x64xf32, #tpu.memory_space<vmem>>)
      tpu.yield
    }) : () -> ()
    "tpu.region"() ({
      %run_scoped3A = tpu.sem_alloc : memref<!tpu.dma_semaphore, #tpu.memory_space<semaphore_mem>>
      tpu.enqueue_dma source(%arg4 : memref<1024xi32, #tpu.memory_space<hbm>>) target(%arg7 : memref<1024xi32, #tpu.memory_space<vmem>>) target_semaphore(%run_scoped3A : memref<!tpu.dma_semaphore, #tpu.memory_space<semaphore_mem>>)
      tpu.wait_dma2 semaphore(%run_scoped3A : memref<!tpu.dma_semaphore, #tpu.memory_space<semaphore_mem>>) src(%arg4 : memref<1024xi32, #tpu.memory_space<hbm>>) dst(%arg7 : memref<1024xi32, #tpu.memory_space<vmem>>)
      tpu.yield
    }) : () -> ()
    "tpu.region"() ({
      %run_scoped3A = tpu.sem_alloc : memref<!tpu.dma_semaphore, #tpu.memory_space<semaphore_mem>>
      tpu.enqueue_dma source(%arg3 : memref<1024x64xf32, #tpu.memory_space<hbm>>) target(%arg9 : memref<1024x64xf32, #tpu.memory_space<vmem>>) target_semaphore(%run_scoped3A : memref<!tpu.dma_semaphore, #tpu.memory_space<semaphore_mem>>)
      tpu.wait_dma2 semaphore(%run_scoped3A : memref<!tpu.dma_semaphore, #tpu.memory_space<semaphore_mem>>) src(%arg3 : memref<1024x64xf32, #tpu.memory_space<hbm>>) dst(%arg9 : memref<1024x64xf32, #tpu.memory_space<vmem>>)
      tpu.yield
    }) : () -> ()
    %iota3A = tpu.iota {dimensions = array<i32: 0>} : vector<16xi32>
    %get3A = arith.constant 0 : index
    %get3A_3 = tpu.vector_load %arg7[%get3A] {strides = array<i32>} : memref<1024xi32, #tpu.memory_space<vmem>>, vector<16xi32>,
    %get3A_4 = vector.shape_cast %get3A_3 : vector<16xi32> to vector<16xi32>
    %ge3A = vector.broadcast %mul3A_2 : i32 to vector<16xi32>
    %ge3A_5 = arith.cmpi sge, %get3A_4, %ge3A : vector<16xi32>
    %add3A_6 = arith.constant 1536 : i32
    %add3A_7 = arith.addi %mul3A_2, %add3A_6 : i32
    %lt3A = vector.broadcast %add3A_7 : i32 to vector<16xi32>
    %lt3A_8 = arith.cmpi slt, %get3A_4, %lt3A : vector<16xi32>
    %and3A = arith.andi %ge3A_5, %lt3A_8 : vector<16xi1>
    %add3A_9 = arith.constant 49152 : i32
    %add3A_10 = vector.broadcast %add3A_9 : i32 to vector<16xi32>
    %add3A_11 = arith.addi %add3A_10, %iota3A : vector<16xi32>
    %select_n3A = arith.select %and3A, %get3A_4, %add3A_11 : vector<16xi1>, vector<16xi32>
    %swap3A = arith.constant 0 : index
    %swap3A_12 = tpu.vector_load %arg8[%swap3A] {strides = array<i32>} : memref<1024xi32, #tpu.memory_space<vmem>>, vector<16xi32>,
    %swap3A_13 = vector.shape_cast %swap3A_12 : vector<16xi32> to vector<16xi32>
    %swap3A_14 = vector.shape_cast %select_n3A : vector<16xi32> to vector<16xi32>
    tpu.vector_store %arg8[%swap3A], %swap3A_14 {strides = array<i32>} : memref<1024xi32, #tpu.memory_space<vmem>>, vector<16xi32>,
    %get3A_15 = arith.constant 16 : index
    %get3A_16 = tpu.vector_load %arg7[%get3A_15] {strides = array<i32>} : memref<1024xi32, #tpu.memory_space<vmem>>, vector<16xi32>,
    %get3A_17 = vector.shape_cast %get3A_16 : vector<16xi32> to vector<16xi32>
    %ge3A_18 = vector.broadcast %mul3A_2 : i32 to vector<16xi32>
    %ge3A_19 = arith.cmpi sge, %get3A_17, %ge3A_18 : vector<16xi32>
    %add3A_20 = arith.constant 1536 : i32
    %add3A_21 = arith.addi %mul3A_2, %add3A_20 : i32
    %lt3A_22 = vector.broadcast %add3A_21 : i32 to vector<16xi32>
    %lt3A_23 = arith.cmpi slt, %get3A_17, %lt3A_22 : vector<16xi32>
    %and3A_24 = arith.andi %ge3A_19, %lt3A_23 : vector<16xi1>
    %add3A_25 = arith.constant 49168 : i32
    %add3A_26 = vector.broadcast %add3A_25 : i32 to vector<16xi32>
    %add3A_27 = arith.addi %add3A_26, %iota3A : vector<16xi32>
    %select_n3A_28 = arith.select %and3A_24, %get3A_17, %add3A_27 : vector<16xi1>, vector<16xi32>
    %swap3A_29 = arith.constant 16 : index
    %swap3A_30 = tpu.vector_load %arg8[%swap3A_29] {strides = array<i32>} : memref<1024xi32, #tpu.memory_space<vmem>>, vector<16xi32>,
    %swap3A_31 = vector.shape_cast %swap3A_30 : vector<16xi32> to vector<16xi32>
    %swap3A_32 = vector.shape_cast %select_n3A_28 : vector<16xi32> to vector<16xi32>
    tpu.vector_store %arg8[%swap3A_29], %swap3A_32 {strides = array<i32>} : memref<1024xi32, #tpu.memory_space<vmem>>, vector<16xi32>,
    %get3A_33 = arith.constant 32 : index
    %get3A_34 = tpu.vector_load %arg7[%get3A_33] {strides = array<i32>} : memref<1024xi32, #tpu.memory_space<vmem>>, vector<16xi32>,
    %get3A_35 = vector.shape_cast %get3A_34 : vector<16xi32> to vector<16xi32>
    %ge3A_36 = vector.broadcast %mul3A_2 : i32 to vector<16xi32>
    %ge3A_37 = arith.cmpi sge, %get3A_35, %ge3A_36 : vector<16xi32>
    %add3A_38 = arith.constant 1536 : i32
    %add3A_39 = arith.addi %mul3A_2, %add3A_38 : i32
    %lt3A_40 = vector.broadcast %add3A_39 : i32 to vector<16xi32>
    %lt3A_41 = arith.cmpi slt, %get3A_35, %lt3A_40 : vector<16xi32>
    %and3A_42 = arith.andi %ge3A_37, %lt3A_41 : vector<16xi1>
    %add3A_43 = arith.constant 49184 : i32
    %add3A_44 = vector.broadcast %add3A_43 : i32 to vector<16xi32>
    %add3A_45 = arith.addi %add3A_44, %iota3A : vector<16xi32>
    %select_n3A_46 = arith.select %and3A_42, %get3A_35, %add3A_45 : vector<16xi1>, vector<16xi32>
    %swap3A_47 = arith.constant 32 : index
    %swap3A_48 = tpu.vector_load %arg8[%swap3A_47] {strides = array<i32>} : memref<1024xi32, #tpu.memory_space<vmem>>, vector<16xi32>,
    %swap3A_49 = vector.shape_cast %swap3A_48 : vector<16xi32> to vector<16xi32>
    %swap3A_50 = vector.shape_cast %select_n3A_46 : vector<16xi32> to vector<16xi32>
    tpu.vector_store %arg8[%swap3A_47], %swap3A_50 {strides = array<i32>} : memref<1024xi32, #tpu.memory_space<vmem>>, vector<16xi32>,
    %get3A_51 = arith.constant 48 : index
    %get3A_52 = tpu.vector_load %arg7[%get3A_51] {strides = array<i32>} : memref<1024xi32, #tpu.memory_space<vmem>>, vector<16xi32>,
    %get3A_53 = vector.shape_cast %get3A_52 : vector<16xi32> to vector<16xi32>
    %ge3A_54 = vector.broadcast %mul3A_2 : i32 to vector<16xi32>
    %ge3A_55 = arith.cmpi sge, %get3A_53, %ge3A_54 : vector<16xi32>
    %add3A_56 = arith.constant 1536 : i32
    %add3A_57 = arith.addi %mul3A_2, %add3A_56 : i32
    %lt3A_58 = vector.broadcast %add3A_57 : i32 to vector<16xi32>
    %lt3A_59 = arith.cmpi slt, %get3A_53, %lt3A_58 : vector<16xi32>
    %and3A_60 = arith.andi %ge3A_55, %lt3A_59 : vector<16xi1>
    %add3A_61 = arith.constant 49200 : i32
    %add3A_62 = vector.broadcast %add3A_61 : i32 to vector<16xi32>
    %add3A_63 = arith.addi %add3A_62, %iota3A : vector<16xi32>
    %select_n3A_64 = arith.select %and3A_60, %get3A_53, %add3A_63 : vector<16xi1>, vector<16xi32>
    %swap3A_65 = arith.constant 48 : index
    %swap3A_66 = tpu.vector_load %arg8[%swap3A_65] {strides = array<i32>} : memref<1024xi32, #tpu.memory_space<vmem>>, vector<16xi32>,
    %swap3A_67 = vector.shape_cast %swap3A_66 : vector<16xi32> to vector<16xi32>
    %swap3A_68 = vector.shape_cast %select_n3A_64 : vector<16xi32> to vector<16xi32>
    tpu.vector_store %arg8[%swap3A_65], %swap3A_68 {strides = array<i32>} : memref<1024xi32, #tpu.memory_space<vmem>>, vector<16xi32>,
    %get3A_69 = arith.constant 64 : index
    %get3A_70 = tpu.vector_load %arg7[%get3A_69] {strides = array<i32>} : memref<1024xi32, #tpu.memory_space<vmem>>, vector<16xi32>,
    %get3A_71 = vector.shape_cast %get3A_70 : vector<16xi32> to vector<16xi32>
    %ge3A_72 = vector.broadcast %mul3A_2 : i32 to vector<16xi32>
    %ge3A_73 = arith.cmpi sge, %get3A_71, %ge3A_72 : vector<16xi32>
    %add3A_74 = arith.constant 1536 : i32
    %add3A_75 = arith.addi %mul3A_2, %add3A_74 : i32
    %lt3A_76 = vector.broadcast %add3A_75 : i32 to vector<16xi32>
    %lt3A_77 = arith.cmpi slt, %get3A_71, %lt3A_76 : vector<16xi32>
    %and3A_78 = arith.andi %ge3A_73, %lt3A_77 : vector<16xi1>
    %add3A_79 = arith.constant 49216 : i32
    %add3A_80 = vector.broadcast %add3A_79 : i32 to vector<16xi32>
    %add3A_81 = arith.addi %add3A_80, %iota3A : vector<16xi32>
    %select_n3A_82 = arith.select %and3A_78, %get3A_71, %add3A_81 : vector<16xi1>, vector<16xi32>
    %swap3A_83 = arith.constant 64 : index
    %swap3A_84 = tpu.vector_load %arg8[%swap3A_83] {strides = array<i32>} : memref<1024xi32, #tpu.memory_space<vmem>>, vector<16xi32>,
    %swap3A_85 = vector.shape_cast %swap3A_84 : vector<16xi32> to vector<16xi32>
    %swap3A_86 = vector.shape_cast %select_n3A_82 : vector<16xi32> to vector<16xi32>
    tpu.vector_store %arg8[%swap3A_83], %swap3A_86 {strides = array<i32>} : memref<1024xi32, #tpu.memory_space<vmem>>, vector<16xi32>,
    %get3A_87 = arith.constant 80 : index
    %get3A_88 = tpu.vector_load %arg7[%get3A_87] {strides = array<i32>} : memref<1024xi32, #tpu.memory_space<vmem>>, vector<16xi32>,
    %get3A_89 = vector.shape_cast %get3A_88 : vector<16xi32> to vector<16xi32>
    %ge3A_90 = vector.broadcast %mul3A_2 : i32 to vector<16xi32>
    %ge3A_91 = arith.cmpi sge, %get3A_89, %ge3A_90 : vector<16xi32>
    %add3A_92 = arith.constant 1536 : i32
    %add3A_93 = arith.addi %mul3A_2, %add3A_92 : i32
    %lt3A_94 = vector.broadcast %add3A_93 : i32 to vector<16xi32>
    %lt3A_95 = arith.cmpi slt, %get3A_89, %lt3A_94 : vector<16xi32>
    %and3A_96 = arith.andi %ge3A_91, %lt3A_95 : vector<16xi1>
    %add3A_97 = arith.constant 49232 : i32
    %add3A_98 = vector.broadcast %add3A_97 : i32 to vector<16xi32>
    %add3A_99 = arith.addi %add3A_98, %iota3A : vector<16xi32>
    %select_n3A_100 = arith.select %and3A_96, %get3A_89, %add3A_99 : vector<16xi1>, vector<16xi32>
    %swap3A_101 = arith.constant 80 : index
    %swap3A_102 = tpu.vector_load %arg8[%swap3A_101] {strides = array<i32>} : memref<1024xi32, #tpu.memory_space<vmem>>, vector<16xi32>,
    %swap3A_103 = vector.shape_cast %swap3A_102 : vector<16xi32> to vector<16xi32>
    %swap3A_104 = vector.shape_cast %select_n3A_100 : vector<16xi32> to vector<16xi32>
    tpu.vector_store %arg8[%swap3A_101], %swap3A_104 {strides = array<i32>} : memref<1024xi32, #tpu.memory_space<vmem>>, vector<16xi32>,
    %get3A_105 = arith.constant 96 : index
    %get3A_106 = tpu.vector_load %arg7[%get3A_105] {strides = array<i32>} : memref<1024xi32, #tpu.memory_space<vmem>>, vector<16xi32>,
    %get3A_107 = vector.shape_cast %get3A_106 : vector<16xi32> to vector<16xi32>
    %ge3A_108 = vector.broadcast %mul3A_2 : i32 to vector<16xi32>
    %ge3A_109 = arith.cmpi sge, %get3A_107, %ge3A_108 : vector<16xi32>
    %add3A_110 = arith.constant 1536 : i32
    %add3A_111 = arith.addi %mul3A_2, %add3A_110 : i32
    %lt3A_112 = vector.broadcast %add3A_111 : i32 to vector<16xi32>
    %lt3A_113 = arith.cmpi slt, %get3A_107, %lt3A_112 : vector<16xi32>
    %and3A_114 = arith.andi %ge3A_109, %lt3A_113 : vector<16xi1>
    %add3A_115 = arith.constant 49248 : i32
    %add3A_116 = vector.broadcast %add3A_115 : i32 to vector<16xi32>
    %add3A_117 = arith.addi %add3A_116, %iota3A : vector<16xi32>
    %select_n3A_118 = arith.select %and3A_114, %get3A_107, %add3A_117 : vector<16xi1>, vector<16xi32>
    %swap3A_119 = arith.constant 96 : index
    %swap3A_120 = tpu.vector_load %arg8[%swap3A_119] {strides = array<i32>} : memref<1024xi32, #tpu.memory_space<vmem>>, vector<16xi32>,
    %swap3A_121 = vector.shape_cast %swap3A_120 : vector<16xi32> to vector<16xi32>
    %swap3A_122 = vector.shape_cast %select_n3A_118 : vector<16xi32> to vector<16xi32>
    tpu.vector_store %arg8[%swap3A_119], %swap3A_122 {strides = array<i32>} : memref<1024xi32, #tpu.memory_space<vmem>>, vector<16xi32>,
    %get3A_123 = arith.constant 112 : index
    %get3A_124 = tpu.vector_load %arg7[%get3A_123] {strides = array<i32>} : memref<1024xi32, #tpu.memory_space<vmem>>, vector<16xi32>,
    %get3A_125 = vector.shape_cast %get3A_124 : vector<16xi32> to vector<16xi32>
    %ge3A_126 = vector.broadcast %mul3A_2 : i32 to vector<16xi32>
    %ge3A_127 = arith.cmpi sge, %get3A_125, %ge3A_126 : vector<16xi32>
    %add3A_128 = arith.constant 1536 : i32
    %add3A_129 = arith.addi %mul3A_2, %add3A_128 : i32
    %lt3A_130 = vector.broadcast %add3A_129 : i32 to vector<16xi32>
    %lt3A_131 = arith.cmpi slt, %get3A_125, %lt3A_130 : vector<16xi32>
    %and3A_132 = arith.andi %ge3A_127, %lt3A_131 : vector<16xi1>
    %add3A_133 = arith.constant 49264 : i32
    %add3A_134 = vector.broadcast %add3A_133 : i32 to vector<16xi32>
    %add3A_135 = arith.addi %add3A_134, %iota3A : vector<16xi32>
    %select_n3A_136 = arith.select %and3A_132, %get3A_125, %add3A_135 : vector<16xi1>, vector<16xi32>
    %swap3A_137 = arith.constant 112 : index
    %swap3A_138 = tpu.vector_load %arg8[%swap3A_137] {strides = array<i32>} : memref<1024xi32, #tpu.memory_space<vmem>>, vector<16xi32>,
    %swap3A_139 = vector.shape_cast %swap3A_138 : vector<16xi32> to vector<16xi32>
    %swap3A_140 = vector.shape_cast %select_n3A_136 : vector<16xi32> to vector<16xi32>
    tpu.vector_store %arg8[%swap3A_137], %swap3A_140 {strides = array<i32>} : memref<1024xi32, #tpu.memory_space<vmem>>, vector<16xi32>,
    %get3A_141 = arith.constant 128 : index
    %get3A_142 = tpu.vector_load %arg7[%get3A_141] {strides = array<i32>} : memref<1024xi32, #tpu.memory_space<vmem>>, vector<16xi32>,
    %get3A_143 = vector.shape_cast %get3A_142 : vector<16xi32> to vector<16xi32>
    %ge3A_144 = vector.broadcast %mul3A_2 : i32 to vector<16xi32>
    %ge3A_145 = arith.cmpi sge, %get3A_143, %ge3A_144 : vector<16xi32>
    %add3A_146 = arith.constant 1536 : i32
    %add3A_147 = arith.addi %mul3A_2, %add3A_146 : i32
    %lt3A_148 = vector.broadcast %add3A_147 : i32 to vector<16xi32>
    %lt3A_149 = arith.cmpi slt, %get3A_143, %lt3A_148 : vector<16xi32>
    %and3A_150 = arith.andi %ge3A_145, %lt3A_149 : vector<16xi1>
    %add3A_151 = arith.constant 49280 : i32
    %add3A_152 = vector.broadcast %add3A_151 : i32 to vector<16xi32>
    %add3A_153 = arith.addi %add3A_152, %iota3A : vector<16xi32>
    %select_n3A_154 = arith.select %and3A_150, %get3A_143, %add3A_153 : vector<16xi1>, vector<16xi32>
    %swap3A_155 = arith.constant 128 : index
    %swap3A_156 = tpu.vector_load %arg8[%swap3A_155] {strides = array<i32>} : memref<1024xi32, #tpu.memory_space<vmem>>, vector<16xi32>,
    %swap3A_157 = vector.shape_cast %swap3A_156 : vector<16xi32> to vector<16xi32>
    %swap3A_158 = vector.shape_cast %select_n3A_154 : vector<16xi32> to vector<16xi32>
    tpu.vector_store %arg8[%swap3A_155], %swap3A_158 {strides = array<i32>} : memref<1024xi32, #tpu.memory_space<vmem>>, vector<16xi32>,
    %get3A_159 = arith.constant 144 : index
    %get3A_160 = tpu.vector_load %arg7[%get3A_159] {strides = array<i32>} : memref<1024xi32, #tpu.memory_space<vmem>>, vector<16xi32>,
    %get3A_161 = vector.shape_cast %get3A_160 : vector<16xi32> to vector<16xi32>
    %ge3A_162 = vector.broadcast %mul3A_2 : i32 to vector<16xi32>
    %ge3A_163 = arith.cmpi sge, %get3A_161, %ge3A_162 : vector<16xi32>
    %add3A_164 = arith.constant 1536 : i32
    %add3A_165 = arith.addi %mul3A_2, %add3A_164 : i32
    %lt3A_166 = vector.broadcast %add3A_165 : i32 to vector<16xi32>
    %lt3A_167 = arith.cmpi slt, %get3A_161, %lt3A_166 : vector<16xi32>
    %and3A_168 = arith.andi %ge3A_163, %lt3A_167 : vector<16xi1>
    %add3A_169 = arith.constant 49296 : i32
    %add3A_170 = vector.broadcast %add3A_169 : i32 to vector<16xi32>
    %add3A_171 = arith.addi %add3A_170, %iota3A : vector<16xi32>
    %select_n3A_172 = arith.select %and3A_168, %get3A_161, %add3A_171 : vector<16xi1>, vector<16xi32>
    %swap3A_173 = arith.constant 144 : index
    %swap3A_174 = tpu.vector_load %arg8[%swap3A_173] {strides = array<i32>} : memref<1024xi32, #tpu.memory_space<vmem>>, vector<16xi32>,
    %swap3A_175 = vector.shape_cast %swap3A_174 : vector<16xi32> to vector<16xi32>
    %swap3A_176 = vector.shape_cast %select_n3A_172 : vector<16xi32> to vector<16xi32>
    tpu.vector_store %arg8[%swap3A_173], %swap3A_176 {strides = array<i32>} : memref<1024xi32, #tpu.memory_space<vmem>>, vector<16xi32>,
    %get3A_177 = arith.constant 160 : index
    %get3A_178 = tpu.vector_load %arg7[%get3A_177] {strides = array<i32>} : memref<1024xi32, #tpu.memory_space<vmem>>, vector<16xi32>,
    %get3A_179 = vector.shape_cast %get3A_178 : vector<16xi32> to vector<16xi32>
    %ge3A_180 = vector.broadcast %mul3A_2 : i32 to vector<16xi32>
    %ge3A_181 = arith.cmpi sge, %get3A_179, %ge3A_180 : vector<16xi32>
    %add3A_182 = arith.constant 1536 : i32
    %add3A_183 = arith.addi %mul3A_2, %add3A_182 : i32
    %lt3A_184 = vector.broadcast %add3A_183 : i32 to vector<16xi32>
    %lt3A_185 = arith.cmpi slt, %get3A_179, %lt3A_184 : vector<16xi32>
    %and3A_186 = arith.andi %ge3A_181, %lt3A_185 : vector<16xi1>
    %add3A_187 = arith.constant 49312 : i32
    %add3A_188 = vector.broadcast %add3A_187 : i32 to vector<16xi32>
    %add3A_189 = arith.addi %add3A_188, %iota3A : vector<16xi32>
    %select_n3A_190 = arith.select %and3A_186, %get3A_179, %add3A_189 : vector<16xi1>, vector<16xi32>
    %swap3A_191 = arith.constant 160 : index
    %swap3A_192 = tpu.vector_load %arg8[%swap3A_191] {strides = array<i32>} : memref<1024xi32, #tpu.memory_space<vmem>>, vector<16xi32>,
    %swap3A_193 = vector.shape_cast %swap3A_192 : vector<16xi32> to vector<16xi32>
    %swap3A_194 = vector.shape_cast %select_n3A_190 : vector<16xi32> to vector<16xi32>
    tpu.vector_store %arg8[%swap3A_191], %swap3A_194 {strides = array<i32>} : memref<1024xi32, #tpu.memory_space<vmem>>, vector<16xi32>,
    %get3A_195 = arith.constant 176 : index
    %get3A_196 = tpu.vector_load %arg7[%get3A_195] {strides = array<i32>} : memref<1024xi32, #tpu.memory_space<vmem>>, vector<16xi32>,
    %get3A_197 = vector.shape_cast %get3A_196 : vector<16xi32> to vector<16xi32>
    %ge3A_198 = vector.broadcast %mul3A_2 : i32 to vector<16xi32>
    %ge3A_199 = arith.cmpi sge, %get3A_197, %ge3A_198 : vector<16xi32>
    %add3A_200 = arith.constant 1536 : i32
    %add3A_201 = arith.addi %mul3A_2, %add3A_200 : i32
    %lt3A_202 = vector.broadcast %add3A_201 : i32 to vector<16xi32>
    %lt3A_203 = arith.cmpi slt, %get3A_197, %lt3A_202 : vector<16xi32>
    %and3A_204 = arith.andi %ge3A_199, %lt3A_203 : vector<16xi1>
    %add3A_205 = arith.constant 49328 : i32
    %add3A_206 = vector.broadcast %add3A_205 : i32 to vector<16xi32>
    %add3A_207 = arith.addi %add3A_206, %iota3A : vector<16xi32>
    %select_n3A_208 = arith.select %and3A_204, %get3A_197, %add3A_207 : vector<16xi1>, vector<16xi32>
    %swap3A_209 = arith.constant 176 : index
    %swap3A_210 = tpu.vector_load %arg8[%swap3A_209] {strides = array<i32>} : memref<1024xi32, #tpu.memory_space<vmem>>, vector<16xi32>,
    %swap3A_211 = vector.shape_cast %swap3A_210 : vector<16xi32> to vector<16xi32>
    %swap3A_212 = vector.shape_cast %select_n3A_208 : vector<16xi32> to vector<16xi32>
    tpu.vector_store %arg8[%swap3A_209], %swap3A_212 {strides = array<i32>} : memref<1024xi32, #tpu.memory_space<vmem>>, vector<16xi32>,
    %get3A_213 = arith.constant 192 : index
    %get3A_214 = tpu.vector_load %arg7[%get3A_213] {strides = array<i32>} : memref<1024xi32, #tpu.memory_space<vmem>>, vector<16xi32>,
    %get3A_215 = vector.shape_cast %get3A_214 : vector<16xi32> to vector<16xi32>
    %ge3A_216 = vector.broadcast %mul3A_2 : i32 to vector<16xi32>
    %ge3A_217 = arith.cmpi sge, %get3A_215, %ge3A_216 : vector<16xi32>
    %add3A_218 = arith.constant 1536 : i32
    %add3A_219 = arith.addi %mul3A_2, %add3A_218 : i32
    %lt3A_220 = vector.broadcast %add3A_219 : i32 to vector<16xi32>
    %lt3A_221 = arith.cmpi slt, %get3A_215, %lt3A_220 : vector<16xi32>
    %and3A_222 = arith.andi %ge3A_217, %lt3A_221 : vector<16xi1>
    %add3A_223 = arith.constant 49344 : i32
    %add3A_224 = vector.broadcast %add3A_223 : i32 to vector<16xi32>
    %add3A_225 = arith.addi %add3A_224, %iota3A : vector<16xi32>
    %select_n3A_226 = arith.select %and3A_222, %get3A_215, %add3A_225 : vector<16xi1>, vector<16xi32>
    %swap3A_227 = arith.constant 192 : index
    %swap3A_228 = tpu.vector_load %arg8[%swap3A_227] {strides = array<i32>} : memref<1024xi32, #tpu.memory_space<vmem>>, vector<16xi32>,
    %swap3A_229 = vector.shape_cast %swap3A_228 : vector<16xi32> to vector<16xi32>
    %swap3A_230 = vector.shape_cast %select_n3A_226 : vector<16xi32> to vector<16xi32>
    tpu.vector_store %arg8[%swap3A_227], %swap3A_230 {strides = array<i32>} : memref<1024xi32, #tpu.memory_space<vmem>>, vector<16xi32>,
    %get3A_231 = arith.constant 208 : index
    %get3A_232 = tpu.vector_load %arg7[%get3A_231] {strides = array<i32>} : memref<1024xi32, #tpu.memory_space<vmem>>, vector<16xi32>,
    %get3A_233 = vector.shape_cast %get3A_232 : vector<16xi32> to vector<16xi32>
    %ge3A_234 = vector.broadcast %mul3A_2 : i32 to vector<16xi32>
    %ge3A_235 = arith.cmpi sge, %get3A_233, %ge3A_234 : vector<16xi32>
    %add3A_236 = arith.constant 1536 : i32
    %add3A_237 = arith.addi %mul3A_2, %add3A_236 : i32
    %lt3A_238 = vector.broadcast %add3A_237 : i32 to vector<16xi32>
    %lt3A_239 = arith.cmpi slt, %get3A_233, %lt3A_238 : vector<16xi32>
    %and3A_240 = arith.andi %ge3A_235, %lt3A_239 : vector<16xi1>
    %add3A_241 = arith.constant 49360 : i32
    %add3A_242 = vector.broadcast %add3A_241 : i32 to vector<16xi32>
    %add3A_243 = arith.addi %add3A_242, %iota3A : vector<16xi32>
    %select_n3A_244 = arith.select %and3A_240, %get3A_233, %add3A_243 : vector<16xi1>, vector<16xi32>
    %swap3A_245 = arith.constant 208 : index
    %swap3A_246 = tpu.vector_load %arg8[%swap3A_245] {strides = array<i32>} : memref<1024xi32, #tpu.memory_space<vmem>>, vector<16xi32>,
    %swap3A_247 = vector.shape_cast %swap3A_246 : vector<16xi32> to vector<16xi32>
    %swap3A_248 = vector.shape_cast %select_n3A_244 : vector<16xi32> to vector<16xi32>
    tpu.vector_store %arg8[%swap3A_245], %swap3A_248 {strides = array<i32>} : memref<1024xi32, #tpu.memory_space<vmem>>, vector<16xi32>,
    %get3A_249 = arith.constant 224 : index
    %get3A_250 = tpu.vector_load %arg7[%get3A_249] {strides = array<i32>} : memref<1024xi32, #tpu.memory_space<vmem>>, vector<16xi32>,
    %get3A_251 = vector.shape_cast %get3A_250 : vector<16xi32> to vector<16xi32>
    %ge3A_252 = vector.broadcast %mul3A_2 : i32 to vector<16xi32>
    %ge3A_253 = arith.cmpi sge, %get3A_251, %ge3A_252 : vector<16xi32>
    %add3A_254 = arith.constant 1536 : i32
    %add3A_255 = arith.addi %mul3A_2, %add3A_254 : i32
    %lt3A_256 = vector.broadcast %add3A_255 : i32 to vector<16xi32>
    %lt3A_257 = arith.cmpi slt, %get3A_251, %lt3A_256 : vector<16xi32>
    %and3A_258 = arith.andi %ge3A_253, %lt3A_257 : vector<16xi1>
    %add3A_259 = arith.constant 49376 : i32
    %add3A_260 = vector.broadcast %add3A_259 : i32 to vector<16xi32>
    %add3A_261 = arith.addi %add3A_260, %iota3A : vector<16xi32>
    %select_n3A_262 = arith.select %and3A_258, %get3A_251, %add3A_261 : vector<16xi1>, vector<16xi32>
    %swap3A_263 = arith.constant 224 : index
    %swap3A_264 = tpu.vector_load %arg8[%swap3A_263] {strides = array<i32>} : memref<1024xi32, #tpu.memory_space<vmem>>, vector<16xi32>,
    %swap3A_265 = vector.shape_cast %swap3A_264 : vector<16xi32> to vector<16xi32>
    %swap3A_266 = vector.shape_cast %select_n3A_262 : vector<16xi32> to vector<16xi32>
    tpu.vector_store %arg8[%swap3A_263], %swap3A_266 {strides = array<i32>} : memref<1024xi32, #tpu.memory_space<vmem>>, vector<16xi32>,
    %get3A_267 = arith.constant 240 : index
    %get3A_268 = tpu.vector_load %arg7[%get3A_267] {strides = array<i32>} : memref<1024xi32, #tpu.memory_space<vmem>>, vector<16xi32>,
    %get3A_269 = vector.shape_cast %get3A_268 : vector<16xi32> to vector<16xi32>
    %ge3A_270 = vector.broadcast %mul3A_2 : i32 to vector<16xi32>
    %ge3A_271 = arith.cmpi sge, %get3A_269, %ge3A_270 : vector<16xi32>
    %add3A_272 = arith.constant 1536 : i32
    %add3A_273 = arith.addi %mul3A_2, %add3A_272 : i32
    %lt3A_274 = vector.broadcast %add3A_273 : i32 to vector<16xi32>
    %lt3A_275 = arith.cmpi slt, %get3A_269, %lt3A_274 : vector<16xi32>
    %and3A_276 = arith.andi %ge3A_271, %lt3A_275 : vector<16xi1>
    %add3A_277 = arith.constant 49392 : i32
    %add3A_278 = vector.broadcast %add3A_277 : i32 to vector<16xi32>
    %add3A_279 = arith.addi %add3A_278, %iota3A : vector<16xi32>
    %select_n3A_280 = arith.select %and3A_276, %get3A_269, %add3A_279 : vector<16xi1>, vector<16xi32>
    %swap3A_281 = arith.constant 240 : index
    %swap3A_282 = tpu.vector_load %arg8[%swap3A_281] {strides = array<i32>} : memref<1024xi32, #tpu.memory_space<vmem>>, vector<16xi32>,
    %swap3A_283 = vector.shape_cast %swap3A_282 : vector<16xi32> to vector<16xi32>
    %swap3A_284 = vector.shape_cast %select_n3A_280 : vector<16xi32> to vector<16xi32>
    tpu.vector_store %arg8[%swap3A_281], %swap3A_284 {strides = array<i32>} : memref<1024xi32, #tpu.memory_space<vmem>>, vector<16xi32>,
    %get3A_285 = arith.constant 256 : index
    %get3A_286 = tpu.vector_load %arg7[%get3A_285] {strides = array<i32>} : memref<1024xi32, #tpu.memory_space<vmem>>, vector<16xi32>,
    %get3A_287 = vector.shape_cast %get3A_286 : vector<16xi32> to vector<16xi32>
    %ge3A_288 = vector.broadcast %mul3A_2 : i32 to vector<16xi32>
    %ge3A_289 = arith.cmpi sge, %get3A_287, %ge3A_288 : vector<16xi32>
    %add3A_290 = arith.constant 1536 : i32
    %add3A_291 = arith.addi %mul3A_2, %add3A_290 : i32
    %lt3A_292 = vector.broadcast %add3A_291 : i32 to vector<16xi32>
    %lt3A_293 = arith.cmpi slt, %get3A_287, %lt3A_292 : vector<16xi32>
    %and3A_294 = arith.andi %ge3A_289, %lt3A_293 : vector<16xi1>
    %add3A_295 = arith.constant 49408 : i32
    %add3A_296 = vector.broadcast %add3A_295 : i32 to vector<16xi32>
    %add3A_297 = arith.addi %add3A_296, %iota3A : vector<16xi32>
    %select_n3A_298 = arith.select %and3A_294, %get3A_287, %add3A_297 : vector<16xi1>, vector<16xi32>
    %swap3A_299 = arith.constant 256 : index
    %swap3A_300 = tpu.vector_load %arg8[%swap3A_299] {strides = array<i32>} : memref<1024xi32, #tpu.memory_space<vmem>>, vector<16xi32>,
    %swap3A_301 = vector.shape_cast %swap3A_300 : vector<16xi32> to vector<16xi32>
    %swap3A_302 = vector.shape_cast %select_n3A_298 : vector<16xi32> to vector<16xi32>
    tpu.vector_store %arg8[%swap3A_299], %swap3A_302 {strides = array<i32>} : memref<1024xi32, #tpu.memory_space<vmem>>, vector<16xi32>,
    %get3A_303 = arith.constant 272 : index
    %get3A_304 = tpu.vector_load %arg7[%get3A_303] {strides = array<i32>} : memref<1024xi32, #tpu.memory_space<vmem>>, vector<16xi32>,
    %get3A_305 = vector.shape_cast %get3A_304 : vector<16xi32> to vector<16xi32>
    %ge3A_306 = vector.broadcast %mul3A_2 : i32 to vector<16xi32>
    %ge3A_307 = arith.cmpi sge, %get3A_305, %ge3A_306 : vector<16xi32>
    %add3A_308 = arith.constant 1536 : i32
    %add3A_309 = arith.addi %mul3A_2, %add3A_308 : i32
    %lt3A_310 = vector.broadcast %add3A_309 : i32 to vector<16xi32>
    %lt3A_311 = arith.cmpi slt, %get3A_305, %lt3A_310 : vector<16xi32>
    %and3A_312 = arith.andi %ge3A_307, %lt3A_311 : vector<16xi1>
    %add3A_313 = arith.constant 49424 : i32
    %add3A_314 = vector.broadcast %add3A_313 : i32 to vector<16xi32>
    %add3A_315 = arith.addi %add3A_314, %iota3A : vector<16xi32>
    %select_n3A_316 = arith.select %and3A_312, %get3A_305, %add3A_315 : vector<16xi1>, vector<16xi32>
    %swap3A_317 = arith.constant 272 : index
    %swap3A_318 = tpu.vector_load %arg8[%swap3A_317] {strides = array<i32>} : memref<1024xi32, #tpu.memory_space<vmem>>, vector<16xi32>,
    %swap3A_319 = vector.shape_cast %swap3A_318 : vector<16xi32> to vector<16xi32>
    %swap3A_320 = vector.shape_cast %select_n3A_316 : vector<16xi32> to vector<16xi32>
    tpu.vector_store %arg8[%swap3A_317], %swap3A_320 {strides = array<i32>} : memref<1024xi32, #tpu.memory_space<vmem>>, vector<16xi32>,
    %get3A_321 = arith.constant 288 : index
    %get3A_322 = tpu.vector_load %arg7[%get3A_321] {strides = array<i32>} : memref<1024xi32, #tpu.memory_space<vmem>>, vector<16xi32>,
    %get3A_323 = vector.shape_cast %get3A_322 : vector<16xi32> to vector<16xi32>
    %ge3A_324 = vector.broadcast %mul3A_2 : i32 to vector<16xi32>
    %ge3A_325 = arith.cmpi sge, %get3A_323, %ge3A_324 : vector<16xi32>
    %add3A_326 = arith.constant 1536 : i32
    %add3A_327 = arith.addi %mul3A_2, %add3A_326 : i32
    %lt3A_328 = vector.broadcast %add3A_327 : i32 to vector<16xi32>
    %lt3A_329 = arith.cmpi slt, %get3A_323, %lt3A_328 : vector<16xi32>
    %and3A_330 = arith.andi %ge3A_325, %lt3A_329 : vector<16xi1>
    %add3A_331 = arith.constant 49440 : i32
    %add3A_332 = vector.broadcast %add3A_331 : i32 to vector<16xi32>
    %add3A_333 = arith.addi %add3A_332, %iota3A : vector<16xi32>
    %select_n3A_334 = arith.select %and3A_330, %get3A_323, %add3A_333 : vector<16xi1>, vector<16xi32>
    %swap3A_335 = arith.constant 288 : index
    %swap3A_336 = tpu.vector_load %arg8[%swap3A_335] {strides = array<i32>} : memref<1024xi32, #tpu.memory_space<vmem>>, vector<16xi32>,
    %swap3A_337 = vector.shape_cast %swap3A_336 : vector<16xi32> to vector<16xi32>
    %swap3A_338 = vector.shape_cast %select_n3A_334 : vector<16xi32> to vector<16xi32>
    tpu.vector_store %arg8[%swap3A_335], %swap3A_338 {strides = array<i32>} : memref<1024xi32, #tpu.memory_space<vmem>>, vector<16xi32>,
    %get3A_339 = arith.constant 304 : index
    %get3A_340 = tpu.vector_load %arg7[%get3A_339] {strides = array<i32>} : memref<1024xi32, #tpu.memory_space<vmem>>, vector<16xi32>,
    %get3A_341 = vector.shape_cast %get3A_340 : vector<16xi32> to vector<16xi32>
    %ge3A_342 = vector.broadcast %mul3A_2 : i32 to vector<16xi32>
    %ge3A_343 = arith.cmpi sge, %get3A_341, %ge3A_342 : vector<16xi32>
    %add3A_344 = arith.constant 1536 : i32
    %add3A_345 = arith.addi %mul3A_2, %add3A_344 : i32
    %lt3A_346 = vector.broadcast %add3A_345 : i32 to vector<16xi32>
    %lt3A_347 = arith.cmpi slt, %get3A_341, %lt3A_346 : vector<16xi32>
    %and3A_348 = arith.andi %ge3A_343, %lt3A_347 : vector<16xi1>
    %add3A_349 = arith.constant 49456 : i32
    %add3A_350 = vector.broadcast %add3A_349 : i32 to vector<16xi32>
    %add3A_351 = arith.addi %add3A_350, %iota3A : vector<16xi32>
    %select_n3A_352 = arith.select %and3A_348, %get3A_341, %add3A_351 : vector<16xi1>, vector<16xi32>
    %swap3A_353 = arith.constant 304 : index
    %swap3A_354 = tpu.vector_load %arg8[%swap3A_353] {strides = array<i32>} : memref<1024xi32, #tpu.memory_space<vmem>>, vector<16xi32>,
    %swap3A_355 = vector.shape_cast %swap3A_354 : vector<16xi32> to vector<16xi32>
    %swap3A_356 = vector.shape_cast %select_n3A_352 : vector<16xi32> to vector<16xi32>
    tpu.vector_store %arg8[%swap3A_353], %swap3A_356 {strides = array<i32>} : memref<1024xi32, #tpu.memory_space<vmem>>, vector<16xi32>,
    %get3A_357 = arith.constant 320 : index
    %get3A_358 = tpu.vector_load %arg7[%get3A_357] {strides = array<i32>} : memref<1024xi32, #tpu.memory_space<vmem>>, vector<16xi32>,
    %get3A_359 = vector.shape_cast %get3A_358 : vector<16xi32> to vector<16xi32>
    %ge3A_360 = vector.broadcast %mul3A_2 : i32 to vector<16xi32>
    %ge3A_361 = arith.cmpi sge, %get3A_359, %ge3A_360 : vector<16xi32>
    %add3A_362 = arith.constant 1536 : i32
    %add3A_363 = arith.addi %mul3A_2, %add3A_362 : i32
    %lt3A_364 = vector.broadcast %add3A_363 : i32 to vector<16xi32>
    %lt3A_365 = arith.cmpi slt, %get3A_359, %lt3A_364 : vector<16xi32>
    %and3A_366 = arith.andi %ge3A_361, %lt3A_365 : vector<16xi1>
    %add3A_367 = arith.constant 49472 : i32
    %add3A_368 = vector.broadcast %add3A_367 : i32 to vector<16xi32>
    %add3A_369 = arith.addi %add3A_368, %iota3A : vector<16xi32>
    %select_n3A_370 = arith.select %and3A_366, %get3A_359, %add3A_369 : vector<16xi1>, vector<16xi32>
    %swap3A_371 = arith.constant 320 : index
    %swap3A_372 = tpu.vector_load %arg8[%swap3A_371] {strides = array<i32>} : memref<1024xi32, #tpu.memory_space<vmem>>, vector<16xi32>,
    %swap3A_373 = vector.shape_cast %swap3A_372 : vector<16xi32> to vector<16xi32>
    %swap3A_374 = vector.shape_cast %select_n3A_370 : vector<16xi32> to vector<16xi32>
    tpu.vector_store %arg8[%swap3A_371], %swap3A_374 {strides = array<i32>} : memref<1024xi32, #tpu.memory_space<vmem>>, vector<16xi32>,
    %get3A_375 = arith.constant 336 : index
    %get3A_376 = tpu.vector_load %arg7[%get3A_375] {strides = array<i32>} : memref<1024xi32, #tpu.memory_space<vmem>>, vector<16xi32>,
    %get3A_377 = vector.shape_cast %get3A_376 : vector<16xi32> to vector<16xi32>
    %ge3A_378 = vector.broadcast %mul3A_2 : i32 to vector<16xi32>
    %ge3A_379 = arith.cmpi sge, %get3A_377, %ge3A_378 : vector<16xi32>
    %add3A_380 = arith.constant 1536 : i32
    %add3A_381 = arith.addi %mul3A_2, %add3A_380 : i32
    %lt3A_382 = vector.broadcast %add3A_381 : i32 to vector<16xi32>
    %lt3A_383 = arith.cmpi slt, %get3A_377, %lt3A_382 : vector<16xi32>
    %and3A_384 = arith.andi %ge3A_379, %lt3A_383 : vector<16xi1>
    %add3A_385 = arith.constant 49488 : i32
    %add3A_386 = vector.broadcast %add3A_385 : i32 to vector<16xi32>
    %add3A_387 = arith.addi %add3A_386, %iota3A : vector<16xi32>
    %select_n3A_388 = arith.select %and3A_384, %get3A_377, %add3A_387 : vector<16xi1>, vector<16xi32>
    %swap3A_389 = arith.constant 336 : index
    %swap3A_390 = tpu.vector_load %arg8[%swap3A_389] {strides = array<i32>} : memref<1024xi32, #tpu.memory_space<vmem>>, vector<16xi32>,
    %swap3A_391 = vector.shape_cast %swap3A_390 : vector<16xi32> to vector<16xi32>
    %swap3A_392 = vector.shape_cast %select_n3A_388 : vector<16xi32> to vector<16xi32>
    tpu.vector_store %arg8[%swap3A_389], %swap3A_392 {strides = array<i32>} : memref<1024xi32, #tpu.memory_space<vmem>>, vector<16xi32>,
    %get3A_393 = arith.constant 352 : index
    %get3A_394 = tpu.vector_load %arg7[%get3A_393] {strides = array<i32>} : memref<1024xi32, #tpu.memory_space<vmem>>, vector<16xi32>,
    %get3A_395 = vector.shape_cast %get3A_394 : vector<16xi32> to vector<16xi32>
    %ge3A_396 = vector.broadcast %mul3A_2 : i32 to vector<16xi32>
    %ge3A_397 = arith.cmpi sge, %get3A_395, %ge3A_396 : vector<16xi32>
    %add3A_398 = arith.constant 1536 : i32
    %add3A_399 = arith.addi %mul3A_2, %add3A_398 : i32
    %lt3A_400 = vector.broadcast %add3A_399 : i32 to vector<16xi32>
    %lt3A_401 = arith.cmpi slt, %get3A_395, %lt3A_400 : vector<16xi32>
    %and3A_402 = arith.andi %ge3A_397, %lt3A_401 : vector<16xi1>
    %add3A_403 = arith.constant 49504 : i32
    %add3A_404 = vector.broadcast %add3A_403 : i32 to vector<16xi32>
    %add3A_405 = arith.addi %add3A_404, %iota3A : vector<16xi32>
    %select_n3A_406 = arith.select %and3A_402, %get3A_395, %add3A_405 : vector<16xi1>, vector<16xi32>
    %swap3A_407 = arith.constant 352 : index
    %swap3A_408 = tpu.vector_load %arg8[%swap3A_407] {strides = array<i32>} : memref<1024xi32, #tpu.memory_space<vmem>>, vector<16xi32>,
    %swap3A_409 = vector.shape_cast %swap3A_408 : vector<16xi32> to vector<16xi32>
    %swap3A_410 = vector.shape_cast %select_n3A_406 : vector<16xi32> to vector<16xi32>
    tpu.vector_store %arg8[%swap3A_407], %swap3A_410 {strides = array<i32>} : memref<1024xi32, #tpu.memory_space<vmem>>, vector<16xi32>,
    %get3A_411 = arith.constant 368 : index
    %get3A_412 = tpu.vector_load %arg7[%get3A_411] {strides = array<i32>} : memref<1024xi32, #tpu.memory_space<vmem>>, vector<16xi32>,
    %get3A_413 = vector.shape_cast %get3A_412 : vector<16xi32> to vector<16xi32>
    %ge3A_414 = vector.broadcast %mul3A_2 : i32 to vector<16xi32>
    %ge3A_415 = arith.cmpi sge, %get3A_413, %ge3A_414 : vector<16xi32>
    %add3A_416 = arith.constant 1536 : i32
    %add3A_417 = arith.addi %mul3A_2, %add3A_416 : i32
    %lt3A_418 = vector.broadcast %add3A_417 : i32 to vector<16xi32>
    %lt3A_419 = arith.cmpi slt, %get3A_413, %lt3A_418 : vector<16xi32>
    %and3A_420 = arith.andi %ge3A_415, %lt3A_419 : vector<16xi1>
    %add3A_421 = arith.constant 49520 : i32
    %add3A_422 = vector.broadcast %add3A_421 : i32 to vector<16xi32>
    %add3A_423 = arith.addi %add3A_422, %iota3A : vector<16xi32>
    %select_n3A_424 = arith.select %and3A_420, %get3A_413, %add3A_423 : vector<16xi1>, vector<16xi32>
    %swap3A_425 = arith.constant 368 : index
    %swap3A_426 = tpu.vector_load %arg8[%swap3A_425] {strides = array<i32>} : memref<1024xi32, #tpu.memory_space<vmem>>, vector<16xi32>,
    %swap3A_427 = vector.shape_cast %swap3A_426 : vector<16xi32> to vector<16xi32>
    %swap3A_428 = vector.shape_cast %select_n3A_424 : vector<16xi32> to vector<16xi32>
    tpu.vector_store %arg8[%swap3A_425], %swap3A_428 {strides = array<i32>} : memref<1024xi32, #tpu.memory_space<vmem>>, vector<16xi32>,
    %get3A_429 = arith.constant 384 : index
    %get3A_430 = tpu.vector_load %arg7[%get3A_429] {strides = array<i32>} : memref<1024xi32, #tpu.memory_space<vmem>>, vector<16xi32>,
    %get3A_431 = vector.shape_cast %get3A_430 : vector<16xi32> to vector<16xi32>
    %ge3A_432 = vector.broadcast %mul3A_2 : i32 to vector<16xi32>
    %ge3A_433 = arith.cmpi sge, %get3A_431, %ge3A_432 : vector<16xi32>
    %add3A_434 = arith.constant 1536 : i32
    %add3A_435 = arith.addi %mul3A_2, %add3A_434 : i32
    %lt3A_436 = vector.broadcast %add3A_435 : i32 to vector<16xi32>
    %lt3A_437 = arith.cmpi slt, %get3A_431, %lt3A_436 : vector<16xi32>
    %and3A_438 = arith.andi %ge3A_433, %lt3A_437 : vector<16xi1>
    %add3A_439 = arith.constant 49536 : i32
    %add3A_440 = vector.broadcast %add3A_439 : i32 to vector<16xi32>
    %add3A_441 = arith.addi %add3A_440, %iota3A : vector<16xi32>
    %select_n3A_442 = arith.select %and3A_438, %get3A_431, %add3A_441 : vector<16xi1>, vector<16xi32>
    %swap3A_443 = arith.constant 384 : index
    %swap3A_444 = tpu.vector_load %arg8[%swap3A_443] {strides = array<i32>} : memref<1024xi32, #tpu.memory_space<vmem>>, vector<16xi32>,
    %swap3A_445 = vector.shape_cast %swap3A_444 : vector<16xi32> to vector<16xi32>
    %swap3A_446 = vector.shape_cast %select_n3A_442 : vector<16xi32> to vector<16xi32>
    tpu.vector_store %arg8[%swap3A_443], %swap3A_446 {strides = array<i32>} : memref<1024xi32, #tpu.memory_space<vmem>>, vector<16xi32>,
    %get3A_447 = arith.constant 400 : index
    %get3A_448 = tpu.vector_load %arg7[%get3A_447] {strides = array<i32>} : memref<1024xi32, #tpu.memory_space<vmem>>, vector<16xi32>,
    %get3A_449 = vector.shape_cast %get3A_448 : vector<16xi32> to vector<16xi32>
    %ge3A_450 = vector.broadcast %mul3A_2 : i32 to vector<16xi32>
    %ge3A_451 = arith.cmpi sge, %get3A_449, %ge3A_450 : vector<16xi32>
    %add3A_452 = arith.constant 1536 : i32
    %add3A_453 = arith.addi %mul3A_2, %add3A_452 : i32
    %lt3A_454 = vector.broadcast %add3A_453 : i32 to vector<16xi32>
    %lt3A_455 = arith.cmpi slt, %get3A_449, %lt3A_454 : vector<16xi32>
    %and3A_456 = arith.andi %ge3A_451, %lt3A_455 : vector<16xi1>
    %add3A_457 = arith.constant 49552 : i32
    %add3A_458 = vector.broadcast %add3A_457 : i32 to vector<16xi32>
    %add3A_459 = arith.addi %add3A_458, %iota3A : vector<16xi32>
    %select_n3A_460 = arith.select %and3A_456, %get3A_449, %add3A_459 : vector<16xi1>, vector<16xi32>
    %swap3A_461 = arith.constant 400 : index
    %swap3A_462 = tpu.vector_load %arg8[%swap3A_461] {strides = array<i32>} : memref<1024xi32, #tpu.memory_space<vmem>>, vector<16xi32>,
    %swap3A_463 = vector.shape_cast %swap3A_462 : vector<16xi32> to vector<16xi32>
    %swap3A_464 = vector.shape_cast %select_n3A_460 : vector<16xi32> to vector<16xi32>
    tpu.vector_store %arg8[%swap3A_461], %swap3A_464 {strides = array<i32>} : memref<1024xi32, #tpu.memory_space<vmem>>, vector<16xi32>,
    %get3A_465 = arith.constant 416 : index
    %get3A_466 = tpu.vector_load %arg7[%get3A_465] {strides = array<i32>} : memref<1024xi32, #tpu.memory_space<vmem>>, vector<16xi32>,
    %get3A_467 = vector.shape_cast %get3A_466 : vector<16xi32> to vector<16xi32>
    %ge3A_468 = vector.broadcast %mul3A_2 : i32 to vector<16xi32>
    %ge3A_469 = arith.cmpi sge, %get3A_467, %ge3A_468 : vector<16xi32>
    %add3A_470 = arith.constant 1536 : i32
    %add3A_471 = arith.addi %mul3A_2, %add3A_470 : i32
    %lt3A_472 = vector.broadcast %add3A_471 : i32 to vector<16xi32>
    %lt3A_473 = arith.cmpi slt, %get3A_467, %lt3A_472 : vector<16xi32>
    %and3A_474 = arith.andi %ge3A_469, %lt3A_473 : vector<16xi1>
    %add3A_475 = arith.constant 49568 : i32
    %add3A_476 = vector.broadcast %add3A_475 : i32 to vector<16xi32>
    %add3A_477 = arith.addi %add3A_476, %iota3A : vector<16xi32>
    %select_n3A_478 = arith.select %and3A_474, %get3A_467, %add3A_477 : vector<16xi1>, vector<16xi32>
    %swap3A_479 = arith.constant 416 : index
    %swap3A_480 = tpu.vector_load %arg8[%swap3A_479] {strides = array<i32>} : memref<1024xi32, #tpu.memory_space<vmem>>, vector<16xi32>,
    %swap3A_481 = vector.shape_cast %swap3A_480 : vector<16xi32> to vector<16xi32>
    %swap3A_482 = vector.shape_cast %select_n3A_478 : vector<16xi32> to vector<16xi32>
    tpu.vector_store %arg8[%swap3A_479], %swap3A_482 {strides = array<i32>} : memref<1024xi32, #tpu.memory_space<vmem>>, vector<16xi32>,
    %get3A_483 = arith.constant 432 : index
    %get3A_484 = tpu.vector_load %arg7[%get3A_483] {strides = array<i32>} : memref<1024xi32, #tpu.memory_space<vmem>>, vector<16xi32>,
    %get3A_485 = vector.shape_cast %get3A_484 : vector<16xi32> to vector<16xi32>
    %ge3A_486 = vector.broadcast %mul3A_2 : i32 to vector<16xi32>
    %ge3A_487 = arith.cmpi sge, %get3A_485, %ge3A_486 : vector<16xi32>
    %add3A_488 = arith.constant 1536 : i32
    %add3A_489 = arith.addi %mul3A_2, %add3A_488 : i32
    %lt3A_490 = vector.broadcast %add3A_489 : i32 to vector<16xi32>
    %lt3A_491 = arith.cmpi slt, %get3A_485, %lt3A_490 : vector<16xi32>
    %and3A_492 = arith.andi %ge3A_487, %lt3A_491 : vector<16xi1>
    %add3A_493 = arith.constant 49584 : i32
    %add3A_494 = vector.broadcast %add3A_493 : i32 to vector<16xi32>
    %add3A_495 = arith.addi %add3A_494, %iota3A : vector<16xi32>
    %select_n3A_496 = arith.select %and3A_492, %get3A_485, %add3A_495 : vector<16xi1>, vector<16xi32>
    %swap3A_497 = arith.constant 432 : index
    %swap3A_498 = tpu.vector_load %arg8[%swap3A_497] {strides = array<i32>} : memref<1024xi32, #tpu.memory_space<vmem>>, vector<16xi32>,
    %swap3A_499 = vector.shape_cast %swap3A_498 : vector<16xi32> to vector<16xi32>
    %swap3A_500 = vector.shape_cast %select_n3A_496 : vector<16xi32> to vector<16xi32>
    tpu.vector_store %arg8[%swap3A_497], %swap3A_500 {strides = array<i32>} : memref<1024xi32, #tpu.memory_space<vmem>>, vector<16xi32>,
    %get3A_501 = arith.constant 448 : index
    %get3A_502 = tpu.vector_load %arg7[%get3A_501] {strides = array<i32>} : memref<1024xi32, #tpu.memory_space<vmem>>, vector<16xi32>,
    %get3A_503 = vector.shape_cast %get3A_502 : vector<16xi32> to vector<16xi32>
    %ge3A_504 = vector.broadcast %mul3A_2 : i32 to vector<16xi32>
    %ge3A_505 = arith.cmpi sge, %get3A_503, %ge3A_504 : vector<16xi32>
    %add3A_506 = arith.constant 1536 : i32
    %add3A_507 = arith.addi %mul3A_2, %add3A_506 : i32
    %lt3A_508 = vector.broadcast %add3A_507 : i32 to vector<16xi32>
    %lt3A_509 = arith.cmpi slt, %get3A_503, %lt3A_508 : vector<16xi32>
    %and3A_510 = arith.andi %ge3A_505, %lt3A_509 : vector<16xi1>
    %add3A_511 = arith.constant 49600 : i32
    %add3A_512 = vector.broadcast %add3A_511 : i32 to vector<16xi32>
    %add3A_513 = arith.addi %add3A_512, %iota3A : vector<16xi32>
    %select_n3A_514 = arith.select %and3A_510, %get3A_503, %add3A_513 : vector<16xi1>, vector<16xi32>
    %swap3A_515 = arith.constant 448 : index
    %swap3A_516 = tpu.vector_load %arg8[%swap3A_515] {strides = array<i32>} : memref<1024xi32, #tpu.memory_space<vmem>>, vector<16xi32>,
    %swap3A_517 = vector.shape_cast %swap3A_516 : vector<16xi32> to vector<16xi32>
    %swap3A_518 = vector.shape_cast %select_n3A_514 : vector<16xi32> to vector<16xi32>
    tpu.vector_store %arg8[%swap3A_515], %swap3A_518 {strides = array<i32>} : memref<1024xi32, #tpu.memory_space<vmem>>, vector<16xi32>,
    %get3A_519 = arith.constant 464 : index
    %get3A_520 = tpu.vector_load %arg7[%get3A_519] {strides = array<i32>} : memref<1024xi32, #tpu.memory_space<vmem>>, vector<16xi32>,
    %get3A_521 = vector.shape_cast %get3A_520 : vector<16xi32> to vector<16xi32>
    %ge3A_522 = vector.broadcast %mul3A_2 : i32 to vector<16xi32>
    %ge3A_523 = arith.cmpi sge, %get3A_521, %ge3A_522 : vector<16xi32>
    %add3A_524 = arith.constant 1536 : i32
    %add3A_525 = arith.addi %mul3A_2, %add3A_524 : i32
    %lt3A_526 = vector.broadcast %add3A_525 : i32 to vector<16xi32>
    %lt3A_527 = arith.cmpi slt, %get3A_521, %lt3A_526 : vector<16xi32>
    %and3A_528 = arith.andi %ge3A_523, %lt3A_527 : vector<16xi1>
    %add3A_529 = arith.constant 49616 : i32
    %add3A_530 = vector.broadcast %add3A_529 : i32 to vector<16xi32>
    %add3A_531 = arith.addi %add3A_530, %iota3A : vector<16xi32>
    %select_n3A_532 = arith.select %and3A_528, %get3A_521, %add3A_531 : vector<16xi1>, vector<16xi32>
    %swap3A_533 = arith.constant 464 : index
    %swap3A_534 = tpu.vector_load %arg8[%swap3A_533] {strides = array<i32>} : memref<1024xi32, #tpu.memory_space<vmem>>, vector<16xi32>,
    %swap3A_535 = vector.shape_cast %swap3A_534 : vector<16xi32> to vector<16xi32>
    %swap3A_536 = vector.shape_cast %select_n3A_532 : vector<16xi32> to vector<16xi32>
    tpu.vector_store %arg8[%swap3A_533], %swap3A_536 {strides = array<i32>} : memref<1024xi32, #tpu.memory_space<vmem>>, vector<16xi32>,
    %get3A_537 = arith.constant 480 : index
    %get3A_538 = tpu.vector_load %arg7[%get3A_537] {strides = array<i32>} : memref<1024xi32, #tpu.memory_space<vmem>>, vector<16xi32>,
    %get3A_539 = vector.shape_cast %get3A_538 : vector<16xi32> to vector<16xi32>
    %ge3A_540 = vector.broadcast %mul3A_2 : i32 to vector<16xi32>
    %ge3A_541 = arith.cmpi sge, %get3A_539, %ge3A_540 : vector<16xi32>
    %add3A_542 = arith.constant 1536 : i32
    %add3A_543 = arith.addi %mul3A_2, %add3A_542 : i32
    %lt3A_544 = vector.broadcast %add3A_543 : i32 to vector<16xi32>
    %lt3A_545 = arith.cmpi slt, %get3A_539, %lt3A_544 : vector<16xi32>
    %and3A_546 = arith.andi %ge3A_541, %lt3A_545 : vector<16xi1>
    %add3A_547 = arith.constant 49632 : i32
    %add3A_548 = vector.broadcast %add3A_547 : i32 to vector<16xi32>
    %add3A_549 = arith.addi %add3A_548, %iota3A : vector<16xi32>
    %select_n3A_550 = arith.select %and3A_546, %get3A_539, %add3A_549 : vector<16xi1>, vector<16xi32>
    %swap3A_551 = arith.constant 480 : index
    %swap3A_552 = tpu.vector_load %arg8[%swap3A_551] {strides = array<i32>} : memref<1024xi32, #tpu.memory_space<vmem>>, vector<16xi32>,
    %swap3A_553 = vector.shape_cast %swap3A_552 : vector<16xi32> to vector<16xi32>
    %swap3A_554 = vector.shape_cast %select_n3A_550 : vector<16xi32> to vector<16xi32>
    tpu.vector_store %arg8[%swap3A_551], %swap3A_554 {strides = array<i32>} : memref<1024xi32, #tpu.memory_space<vmem>>, vector<16xi32>,
    %get3A_555 = arith.constant 496 : index
    %get3A_556 = tpu.vector_load %arg7[%get3A_555] {strides = array<i32>} : memref<1024xi32, #tpu.memory_space<vmem>>, vector<16xi32>,
    %get3A_557 = vector.shape_cast %get3A_556 : vector<16xi32> to vector<16xi32>
    %ge3A_558 = vector.broadcast %mul3A_2 : i32 to vector<16xi32>
    %ge3A_559 = arith.cmpi sge, %get3A_557, %ge3A_558 : vector<16xi32>
    %add3A_560 = arith.constant 1536 : i32
    %add3A_561 = arith.addi %mul3A_2, %add3A_560 : i32
    %lt3A_562 = vector.broadcast %add3A_561 : i32 to vector<16xi32>
    %lt3A_563 = arith.cmpi slt, %get3A_557, %lt3A_562 : vector<16xi32>
    %and3A_564 = arith.andi %ge3A_559, %lt3A_563 : vector<16xi1>
    %add3A_565 = arith.constant 49648 : i32
    %add3A_566 = vector.broadcast %add3A_565 : i32 to vector<16xi32>
    %add3A_567 = arith.addi %add3A_566, %iota3A : vector<16xi32>
    %select_n3A_568 = arith.select %and3A_564, %get3A_557, %add3A_567 : vector<16xi1>, vector<16xi32>
    %swap3A_569 = arith.constant 496 : index
    %swap3A_570 = tpu.vector_load %arg8[%swap3A_569] {strides = array<i32>} : memref<1024xi32, #tpu.memory_space<vmem>>, vector<16xi32>,
    %swap3A_571 = vector.shape_cast %swap3A_570 : vector<16xi32> to vector<16xi32>
    %swap3A_572 = vector.shape_cast %select_n3A_568 : vector<16xi32> to vector<16xi32>
    tpu.vector_store %arg8[%swap3A_569], %swap3A_572 {strides = array<i32>} : memref<1024xi32, #tpu.memory_space<vmem>>, vector<16xi32>,
    %get3A_573 = arith.constant 512 : index
    %get3A_574 = tpu.vector_load %arg7[%get3A_573] {strides = array<i32>} : memref<1024xi32, #tpu.memory_space<vmem>>, vector<16xi32>,
    %get3A_575 = vector.shape_cast %get3A_574 : vector<16xi32> to vector<16xi32>
    %ge3A_576 = vector.broadcast %mul3A_2 : i32 to vector<16xi32>
    %ge3A_577 = arith.cmpi sge, %get3A_575, %ge3A_576 : vector<16xi32>
    %add3A_578 = arith.constant 1536 : i32
    %add3A_579 = arith.addi %mul3A_2, %add3A_578 : i32
    %lt3A_580 = vector.broadcast %add3A_579 : i32 to vector<16xi32>
    %lt3A_581 = arith.cmpi slt, %get3A_575, %lt3A_580 : vector<16xi32>
    %and3A_582 = arith.andi %ge3A_577, %lt3A_581 : vector<16xi1>
    %add3A_583 = arith.constant 49664 : i32
    %add3A_584 = vector.broadcast %add3A_583 : i32 to vector<16xi32>
    %add3A_585 = arith.addi %add3A_584, %iota3A : vector<16xi32>
    %select_n3A_586 = arith.select %and3A_582, %get3A_575, %add3A_585 : vector<16xi1>, vector<16xi32>
    %swap3A_587 = arith.constant 512 : index
    %swap3A_588 = tpu.vector_load %arg8[%swap3A_587] {strides = array<i32>} : memref<1024xi32, #tpu.memory_space<vmem>>, vector<16xi32>,
    %swap3A_589 = vector.shape_cast %swap3A_588 : vector<16xi32> to vector<16xi32>
    %swap3A_590 = vector.shape_cast %select_n3A_586 : vector<16xi32> to vector<16xi32>
    tpu.vector_store %arg8[%swap3A_587], %swap3A_590 {strides = array<i32>} : memref<1024xi32, #tpu.memory_space<vmem>>, vector<16xi32>,
    %get3A_591 = arith.constant 528 : index
    %get3A_592 = tpu.vector_load %arg7[%get3A_591] {strides = array<i32>} : memref<1024xi32, #tpu.memory_space<vmem>>, vector<16xi32>,
    %get3A_593 = vector.shape_cast %get3A_592 : vector<16xi32> to vector<16xi32>
    %ge3A_594 = vector.broadcast %mul3A_2 : i32 to vector<16xi32>
    %ge3A_595 = arith.cmpi sge, %get3A_593, %ge3A_594 : vector<16xi32>
    %add3A_596 = arith.constant 1536 : i32
    %add3A_597 = arith.addi %mul3A_2, %add3A_596 : i32
    %lt3A_598 = vector.broadcast %add3A_597 : i32 to vector<16xi32>
    %lt3A_599 = arith.cmpi slt, %get3A_593, %lt3A_598 : vector<16xi32>
    %and3A_600 = arith.andi %ge3A_595, %lt3A_599 : vector<16xi1>
    %add3A_601 = arith.constant 49680 : i32
    %add3A_602 = vector.broadcast %add3A_601 : i32 to vector<16xi32>
    %add3A_603 = arith.addi %add3A_602, %iota3A : vector<16xi32>
    %select_n3A_604 = arith.select %and3A_600, %get3A_593, %add3A_603 : vector<16xi1>, vector<16xi32>
    %swap3A_605 = arith.constant 528 : index
    %swap3A_606 = tpu.vector_load %arg8[%swap3A_605] {strides = array<i32>} : memref<1024xi32, #tpu.memory_space<vmem>>, vector<16xi32>,
    %swap3A_607 = vector.shape_cast %swap3A_606 : vector<16xi32> to vector<16xi32>
    %swap3A_608 = vector.shape_cast %select_n3A_604 : vector<16xi32> to vector<16xi32>
    tpu.vector_store %arg8[%swap3A_605], %swap3A_608 {strides = array<i32>} : memref<1024xi32, #tpu.memory_space<vmem>>, vector<16xi32>,
    %get3A_609 = arith.constant 544 : index
    %get3A_610 = tpu.vector_load %arg7[%get3A_609] {strides = array<i32>} : memref<1024xi32, #tpu.memory_space<vmem>>, vector<16xi32>,
    %get3A_611 = vector.shape_cast %get3A_610 : vector<16xi32> to vector<16xi32>
    %ge3A_612 = vector.broadcast %mul3A_2 : i32 to vector<16xi32>
    %ge3A_613 = arith.cmpi sge, %get3A_611, %ge3A_612 : vector<16xi32>
    %add3A_614 = arith.constant 1536 : i32
    %add3A_615 = arith.addi %mul3A_2, %add3A_614 : i32
    %lt3A_616 = vector.broadcast %add3A_615 : i32 to vector<16xi32>
    %lt3A_617 = arith.cmpi slt, %get3A_611, %lt3A_616 : vector<16xi32>
    %and3A_618 = arith.andi %ge3A_613, %lt3A_617 : vector<16xi1>
    %add3A_619 = arith.constant 49696 : i32
    %add3A_620 = vector.broadcast %add3A_619 : i32 to vector<16xi32>
    %add3A_621 = arith.addi %add3A_620, %iota3A : vector<16xi32>
    %select_n3A_622 = arith.select %and3A_618, %get3A_611, %add3A_621 : vector<16xi1>, vector<16xi32>
    %swap3A_623 = arith.constant 544 : index
    %swap3A_624 = tpu.vector_load %arg8[%swap3A_623] {strides = array<i32>} : memref<1024xi32, #tpu.memory_space<vmem>>, vector<16xi32>,
    %swap3A_625 = vector.shape_cast %swap3A_624 : vector<16xi32> to vector<16xi32>
    %swap3A_626 = vector.shape_cast %select_n3A_622 : vector<16xi32> to vector<16xi32>
    tpu.vector_store %arg8[%swap3A_623], %swap3A_626 {strides = array<i32>} : memref<1024xi32, #tpu.memory_space<vmem>>, vector<16xi32>,
    %get3A_627 = arith.constant 560 : index
    %get3A_628 = tpu.vector_load %arg7[%get3A_627] {strides = array<i32>} : memref<1024xi32, #tpu.memory_space<vmem>>, vector<16xi32>,
    %get3A_629 = vector.shape_cast %get3A_628 : vector<16xi32> to vector<16xi32>
    %ge3A_630 = vector.broadcast %mul3A_2 : i32 to vector<16xi32>
    %ge3A_631 = arith.cmpi sge, %get3A_629, %ge3A_630 : vector<16xi32>
    %add3A_632 = arith.constant 1536 : i32
    %add3A_633 = arith.addi %mul3A_2, %add3A_632 : i32
    %lt3A_634 = vector.broadcast %add3A_633 : i32 to vector<16xi32>
    %lt3A_635 = arith.cmpi slt, %get3A_629, %lt3A_634 : vector<16xi32>
    %and3A_636 = arith.andi %ge3A_631, %lt3A_635 : vector<16xi1>
    %add3A_637 = arith.constant 49712 : i32
    %add3A_638 = vector.broadcast %add3A_637 : i32 to vector<16xi32>
    %add3A_639 = arith.addi %add3A_638, %iota3A : vector<16xi32>
    %select_n3A_640 = arith.select %and3A_636, %get3A_629, %add3A_639 : vector<16xi1>, vector<16xi32>
    %swap3A_641 = arith.constant 560 : index
    %swap3A_642 = tpu.vector_load %arg8[%swap3A_641] {strides = array<i32>} : memref<1024xi32, #tpu.memory_space<vmem>>, vector<16xi32>,
    %swap3A_643 = vector.shape_cast %swap3A_642 : vector<16xi32> to vector<16xi32>
    %swap3A_644 = vector.shape_cast %select_n3A_640 : vector<16xi32> to vector<16xi32>
    tpu.vector_store %arg8[%swap3A_641], %swap3A_644 {strides = array<i32>} : memref<1024xi32, #tpu.memory_space<vmem>>, vector<16xi32>,
    %get3A_645 = arith.constant 576 : index
    %get3A_646 = tpu.vector_load %arg7[%get3A_645] {strides = array<i32>} : memref<1024xi32, #tpu.memory_space<vmem>>, vector<16xi32>,
    %get3A_647 = vector.shape_cast %get3A_646 : vector<16xi32> to vector<16xi32>
    %ge3A_648 = vector.broadcast %mul3A_2 : i32 to vector<16xi32>
    %ge3A_649 = arith.cmpi sge, %get3A_647, %ge3A_648 : vector<16xi32>
    %add3A_650 = arith.constant 1536 : i32
    %add3A_651 = arith.addi %mul3A_2, %add3A_650 : i32
    %lt3A_652 = vector.broadcast %add3A_651 : i32 to vector<16xi32>
    %lt3A_653 = arith.cmpi slt, %get3A_647, %lt3A_652 : vector<16xi32>
    %and3A_654 = arith.andi %ge3A_649, %lt3A_653 : vector<16xi1>
    %add3A_655 = arith.constant 49728 : i32
    %add3A_656 = vector.broadcast %add3A_655 : i32 to vector<16xi32>
    %add3A_657 = arith.addi %add3A_656, %iota3A : vector<16xi32>
    %select_n3A_658 = arith.select %and3A_654, %get3A_647, %add3A_657 : vector<16xi1>, vector<16xi32>
    %swap3A_659 = arith.constant 576 : index
    %swap3A_660 = tpu.vector_load %arg8[%swap3A_659] {strides = array<i32>} : memref<1024xi32, #tpu.memory_space<vmem>>, vector<16xi32>,
    %swap3A_661 = vector.shape_cast %swap3A_660 : vector<16xi32> to vector<16xi32>
    %swap3A_662 = vector.shape_cast %select_n3A_658 : vector<16xi32> to vector<16xi32>
    tpu.vector_store %arg8[%swap3A_659], %swap3A_662 {strides = array<i32>} : memref<1024xi32, #tpu.memory_space<vmem>>, vector<16xi32>,
    %get3A_663 = arith.constant 592 : index
    %get3A_664 = tpu.vector_load %arg7[%get3A_663] {strides = array<i32>} : memref<1024xi32, #tpu.memory_space<vmem>>, vector<16xi32>,
    %get3A_665 = vector.shape_cast %get3A_664 : vector<16xi32> to vector<16xi32>
    %ge3A_666 = vector.broadcast %mul3A_2 : i32 to vector<16xi32>
    %ge3A_667 = arith.cmpi sge, %get3A_665, %ge3A_666 : vector<16xi32>
    %add3A_668 = arith.constant 1536 : i32
    %add3A_669 = arith.addi %mul3A_2, %add3A_668 : i32
    %lt3A_670 = vector.broadcast %add3A_669 : i32 to vector<16xi32>
    %lt3A_671 = arith.cmpi slt, %get3A_665, %lt3A_670 : vector<16xi32>
    %and3A_672 = arith.andi %ge3A_667, %lt3A_671 : vector<16xi1>
    %add3A_673 = arith.constant 49744 : i32
    %add3A_674 = vector.broadcast %add3A_673 : i32 to vector<16xi32>
    %add3A_675 = arith.addi %add3A_674, %iota3A : vector<16xi32>
    %select_n3A_676 = arith.select %and3A_672, %get3A_665, %add3A_675 : vector<16xi1>, vector<16xi32>
    %swap3A_677 = arith.constant 592 : index
    %swap3A_678 = tpu.vector_load %arg8[%swap3A_677] {strides = array<i32>} : memref<1024xi32, #tpu.memory_space<vmem>>, vector<16xi32>,
    %swap3A_679 = vector.shape_cast %swap3A_678 : vector<16xi32> to vector<16xi32>
    %swap3A_680 = vector.shape_cast %select_n3A_676 : vector<16xi32> to vector<16xi32>
    tpu.vector_store %arg8[%swap3A_677], %swap3A_680 {strides = array<i32>} : memref<1024xi32, #tpu.memory_space<vmem>>, vector<16xi32>,
    %get3A_681 = arith.constant 608 : index
    %get3A_682 = tpu.vector_load %arg7[%get3A_681] {strides = array<i32>} : memref<1024xi32, #tpu.memory_space<vmem>>, vector<16xi32>,
    %get3A_683 = vector.shape_cast %get3A_682 : vector<16xi32> to vector<16xi32>
    %ge3A_684 = vector.broadcast %mul3A_2 : i32 to vector<16xi32>
    %ge3A_685 = arith.cmpi sge, %get3A_683, %ge3A_684 : vector<16xi32>
    %add3A_686 = arith.constant 1536 : i32
    %add3A_687 = arith.addi %mul3A_2, %add3A_686 : i32
    %lt3A_688 = vector.broadcast %add3A_687 : i32 to vector<16xi32>
    %lt3A_689 = arith.cmpi slt, %get3A_683, %lt3A_688 : vector<16xi32>
    %and3A_690 = arith.andi %ge3A_685, %lt3A_689 : vector<16xi1>
    %add3A_691 = arith.constant 49760 : i32
    %add3A_692 = vector.broadcast %add3A_691 : i32 to vector<16xi32>
    %add3A_693 = arith.addi %add3A_692, %iota3A : vector<16xi32>
    %select_n3A_694 = arith.select %and3A_690, %get3A_683, %add3A_693 : vector<16xi1>, vector<16xi32>
    %swap3A_695 = arith.constant 608 : index
    %swap3A_696 = tpu.vector_load %arg8[%swap3A_695] {strides = array<i32>} : memref<1024xi32, #tpu.memory_space<vmem>>, vector<16xi32>,
    %swap3A_697 = vector.shape_cast %swap3A_696 : vector<16xi32> to vector<16xi32>
    %swap3A_698 = vector.shape_cast %select_n3A_694 : vector<16xi32> to vector<16xi32>
    tpu.vector_store %arg8[%swap3A_695], %swap3A_698 {strides = array<i32>} : memref<1024xi32, #tpu.memory_space<vmem>>, vector<16xi32>,
    %get3A_699 = arith.constant 624 : index
    %get3A_700 = tpu.vector_load %arg7[%get3A_699] {strides = array<i32>} : memref<1024xi32, #tpu.memory_space<vmem>>, vector<16xi32>,
    %get3A_701 = vector.shape_cast %get3A_700 : vector<16xi32> to vector<16xi32>
    %ge3A_702 = vector.broadcast %mul3A_2 : i32 to vector<16xi32>
    %ge3A_703 = arith.cmpi sge, %get3A_701, %ge3A_702 : vector<16xi32>
    %add3A_704 = arith.constant 1536 : i32
    %add3A_705 = arith.addi %mul3A_2, %add3A_704 : i32
    %lt3A_706 = vector.broadcast %add3A_705 : i32 to vector<16xi32>
    %lt3A_707 = arith.cmpi slt, %get3A_701, %lt3A_706 : vector<16xi32>
    %and3A_708 = arith.andi %ge3A_703, %lt3A_707 : vector<16xi1>
    %add3A_709 = arith.constant 49776 : i32
    %add3A_710 = vector.broadcast %add3A_709 : i32 to vector<16xi32>
    %add3A_711 = arith.addi %add3A_710, %iota3A : vector<16xi32>
    %select_n3A_712 = arith.select %and3A_708, %get3A_701, %add3A_711 : vector<16xi1>, vector<16xi32>
    %swap3A_713 = arith.constant 624 : index
    %swap3A_714 = tpu.vector_load %arg8[%swap3A_713] {strides = array<i32>} : memref<1024xi32, #tpu.memory_space<vmem>>, vector<16xi32>,
    %swap3A_715 = vector.shape_cast %swap3A_714 : vector<16xi32> to vector<16xi32>
    %swap3A_716 = vector.shape_cast %select_n3A_712 : vector<16xi32> to vector<16xi32>
    tpu.vector_store %arg8[%swap3A_713], %swap3A_716 {strides = array<i32>} : memref<1024xi32, #tpu.memory_space<vmem>>, vector<16xi32>,
    %get3A_717 = arith.constant 640 : index
    %get3A_718 = tpu.vector_load %arg7[%get3A_717] {strides = array<i32>} : memref<1024xi32, #tpu.memory_space<vmem>>, vector<16xi32>,
    %get3A_719 = vector.shape_cast %get3A_718 : vector<16xi32> to vector<16xi32>
    %ge3A_720 = vector.broadcast %mul3A_2 : i32 to vector<16xi32>
    %ge3A_721 = arith.cmpi sge, %get3A_719, %ge3A_720 : vector<16xi32>
    %add3A_722 = arith.constant 1536 : i32
    %add3A_723 = arith.addi %mul3A_2, %add3A_722 : i32
    %lt3A_724 = vector.broadcast %add3A_723 : i32 to vector<16xi32>
    %lt3A_725 = arith.cmpi slt, %get3A_719, %lt3A_724 : vector<16xi32>
    %and3A_726 = arith.andi %ge3A_721, %lt3A_725 : vector<16xi1>
    %add3A_727 = arith.constant 49792 : i32
    %add3A_728 = vector.broadcast %add3A_727 : i32 to vector<16xi32>
    %add3A_729 = arith.addi %add3A_728, %iota3A : vector<16xi32>
    %select_n3A_730 = arith.select %and3A_726, %get3A_719, %add3A_729 : vector<16xi1>, vector<16xi32>
    %swap3A_731 = arith.constant 640 : index
    %swap3A_732 = tpu.vector_load %arg8[%swap3A_731] {strides = array<i32>} : memref<1024xi32, #tpu.memory_space<vmem>>, vector<16xi32>,
    %swap3A_733 = vector.shape_cast %swap3A_732 : vector<16xi32> to vector<16xi32>
    %swap3A_734 = vector.shape_cast %select_n3A_730 : vector<16xi32> to vector<16xi32>
    tpu.vector_store %arg8[%swap3A_731], %swap3A_734 {strides = array<i32>} : memref<1024xi32, #tpu.memory_space<vmem>>, vector<16xi32>,
    %get3A_735 = arith.constant 656 : index
    %get3A_736 = tpu.vector_load %arg7[%get3A_735] {strides = array<i32>} : memref<1024xi32, #tpu.memory_space<vmem>>, vector<16xi32>,
    %get3A_737 = vector.shape_cast %get3A_736 : vector<16xi32> to vector<16xi32>
    %ge3A_738 = vector.broadcast %mul3A_2 : i32 to vector<16xi32>
    %ge3A_739 = arith.cmpi sge, %get3A_737, %ge3A_738 : vector<16xi32>
    %add3A_740 = arith.constant 1536 : i32
    %add3A_741 = arith.addi %mul3A_2, %add3A_740 : i32
    %lt3A_742 = vector.broadcast %add3A_741 : i32 to vector<16xi32>
    %lt3A_743 = arith.cmpi slt, %get3A_737, %lt3A_742 : vector<16xi32>
    %and3A_744 = arith.andi %ge3A_739, %lt3A_743 : vector<16xi1>
    %add3A_745 = arith.constant 49808 : i32
    %add3A_746 = vector.broadcast %add3A_745 : i32 to vector<16xi32>
    %add3A_747 = arith.addi %add3A_746, %iota3A : vector<16xi32>
    %select_n3A_748 = arith.select %and3A_744, %get3A_737, %add3A_747 : vector<16xi1>, vector<16xi32>
    %swap3A_749 = arith.constant 656 : index
    %swap3A_750 = tpu.vector_load %arg8[%swap3A_749] {strides = array<i32>} : memref<1024xi32, #tpu.memory_space<vmem>>, vector<16xi32>,
    %swap3A_751 = vector.shape_cast %swap3A_750 : vector<16xi32> to vector<16xi32>
    %swap3A_752 = vector.shape_cast %select_n3A_748 : vector<16xi32> to vector<16xi32>
    tpu.vector_store %arg8[%swap3A_749], %swap3A_752 {strides = array<i32>} : memref<1024xi32, #tpu.memory_space<vmem>>, vector<16xi32>,
    %get3A_753 = arith.constant 672 : index
    %get3A_754 = tpu.vector_load %arg7[%get3A_753] {strides = array<i32>} : memref<1024xi32, #tpu.memory_space<vmem>>, vector<16xi32>,
    %get3A_755 = vector.shape_cast %get3A_754 : vector<16xi32> to vector<16xi32>
    %ge3A_756 = vector.broadcast %mul3A_2 : i32 to vector<16xi32>
    %ge3A_757 = arith.cmpi sge, %get3A_755, %ge3A_756 : vector<16xi32>
    %add3A_758 = arith.constant 1536 : i32
    %add3A_759 = arith.addi %mul3A_2, %add3A_758 : i32
    %lt3A_760 = vector.broadcast %add3A_759 : i32 to vector<16xi32>
    %lt3A_761 = arith.cmpi slt, %get3A_755, %lt3A_760 : vector<16xi32>
    %and3A_762 = arith.andi %ge3A_757, %lt3A_761 : vector<16xi1>
    %add3A_763 = arith.constant 49824 : i32
    %add3A_764 = vector.broadcast %add3A_763 : i32 to vector<16xi32>
    %add3A_765 = arith.addi %add3A_764, %iota3A : vector<16xi32>
    %select_n3A_766 = arith.select %and3A_762, %get3A_755, %add3A_765 : vector<16xi1>, vector<16xi32>
    %swap3A_767 = arith.constant 672 : index
    %swap3A_768 = tpu.vector_load %arg8[%swap3A_767] {strides = array<i32>} : memref<1024xi32, #tpu.memory_space<vmem>>, vector<16xi32>,
    %swap3A_769 = vector.shape_cast %swap3A_768 : vector<16xi32> to vector<16xi32>
    %swap3A_770 = vector.shape_cast %select_n3A_766 : vector<16xi32> to vector<16xi32>
    tpu.vector_store %arg8[%swap3A_767], %swap3A_770 {strides = array<i32>} : memref<1024xi32, #tpu.memory_space<vmem>>, vector<16xi32>,
    %get3A_771 = arith.constant 688 : index
    %get3A_772 = tpu.vector_load %arg7[%get3A_771] {strides = array<i32>} : memref<1024xi32, #tpu.memory_space<vmem>>, vector<16xi32>,
    %get3A_773 = vector.shape_cast %get3A_772 : vector<16xi32> to vector<16xi32>
    %ge3A_774 = vector.broadcast %mul3A_2 : i32 to vector<16xi32>
    %ge3A_775 = arith.cmpi sge, %get3A_773, %ge3A_774 : vector<16xi32>
    %add3A_776 = arith.constant 1536 : i32
    %add3A_777 = arith.addi %mul3A_2, %add3A_776 : i32
    %lt3A_778 = vector.broadcast %add3A_777 : i32 to vector<16xi32>
    %lt3A_779 = arith.cmpi slt, %get3A_773, %lt3A_778 : vector<16xi32>
    %and3A_780 = arith.andi %ge3A_775, %lt3A_779 : vector<16xi1>
    %add3A_781 = arith.constant 49840 : i32
    %add3A_782 = vector.broadcast %add3A_781 : i32 to vector<16xi32>
    %add3A_783 = arith.addi %add3A_782, %iota3A : vector<16xi32>
    %select_n3A_784 = arith.select %and3A_780, %get3A_773, %add3A_783 : vector<16xi1>, vector<16xi32>
    %swap3A_785 = arith.constant 688 : index
    %swap3A_786 = tpu.vector_load %arg8[%swap3A_785] {strides = array<i32>} : memref<1024xi32, #tpu.memory_space<vmem>>, vector<16xi32>,
    %swap3A_787 = vector.shape_cast %swap3A_786 : vector<16xi32> to vector<16xi32>
    %swap3A_788 = vector.shape_cast %select_n3A_784 : vector<16xi32> to vector<16xi32>
    tpu.vector_store %arg8[%swap3A_785], %swap3A_788 {strides = array<i32>} : memref<1024xi32, #tpu.memory_space<vmem>>, vector<16xi32>,
    %get3A_789 = arith.constant 704 : index
    %get3A_790 = tpu.vector_load %arg7[%get3A_789] {strides = array<i32>} : memref<1024xi32, #tpu.memory_space<vmem>>, vector<16xi32>,
    %get3A_791 = vector.shape_cast %get3A_790 : vector<16xi32> to vector<16xi32>
    %ge3A_792 = vector.broadcast %mul3A_2 : i32 to vector<16xi32>
    %ge3A_793 = arith.cmpi sge, %get3A_791, %ge3A_792 : vector<16xi32>
    %add3A_794 = arith.constant 1536 : i32
    %add3A_795 = arith.addi %mul3A_2, %add3A_794 : i32
    %lt3A_796 = vector.broadcast %add3A_795 : i32 to vector<16xi32>
    %lt3A_797 = arith.cmpi slt, %get3A_791, %lt3A_796 : vector<16xi32>
    %and3A_798 = arith.andi %ge3A_793, %lt3A_797 : vector<16xi1>
    %add3A_799 = arith.constant 49856 : i32
    %add3A_800 = vector.broadcast %add3A_799 : i32 to vector<16xi32>
    %add3A_801 = arith.addi %add3A_800, %iota3A : vector<16xi32>
    %select_n3A_802 = arith.select %and3A_798, %get3A_791, %add3A_801 : vector<16xi1>, vector<16xi32>
    %swap3A_803 = arith.constant 704 : index
    %swap3A_804 = tpu.vector_load %arg8[%swap3A_803] {strides = array<i32>} : memref<1024xi32, #tpu.memory_space<vmem>>, vector<16xi32>,
    %swap3A_805 = vector.shape_cast %swap3A_804 : vector<16xi32> to vector<16xi32>
    %swap3A_806 = vector.shape_cast %select_n3A_802 : vector<16xi32> to vector<16xi32>
    tpu.vector_store %arg8[%swap3A_803], %swap3A_806 {strides = array<i32>} : memref<1024xi32, #tpu.memory_space<vmem>>, vector<16xi32>,
    %get3A_807 = arith.constant 720 : index
    %get3A_808 = tpu.vector_load %arg7[%get3A_807] {strides = array<i32>} : memref<1024xi32, #tpu.memory_space<vmem>>, vector<16xi32>,
    %get3A_809 = vector.shape_cast %get3A_808 : vector<16xi32> to vector<16xi32>
    %ge3A_810 = vector.broadcast %mul3A_2 : i32 to vector<16xi32>
    %ge3A_811 = arith.cmpi sge, %get3A_809, %ge3A_810 : vector<16xi32>
    %add3A_812 = arith.constant 1536 : i32
    %add3A_813 = arith.addi %mul3A_2, %add3A_812 : i32
    %lt3A_814 = vector.broadcast %add3A_813 : i32 to vector<16xi32>
    %lt3A_815 = arith.cmpi slt, %get3A_809, %lt3A_814 : vector<16xi32>
    %and3A_816 = arith.andi %ge3A_811, %lt3A_815 : vector<16xi1>
    %add3A_817 = arith.constant 49872 : i32
    %add3A_818 = vector.broadcast %add3A_817 : i32 to vector<16xi32>
    %add3A_819 = arith.addi %add3A_818, %iota3A : vector<16xi32>
    %select_n3A_820 = arith.select %and3A_816, %get3A_809, %add3A_819 : vector<16xi1>, vector<16xi32>
    %swap3A_821 = arith.constant 720 : index
    %swap3A_822 = tpu.vector_load %arg8[%swap3A_821] {strides = array<i32>} : memref<1024xi32, #tpu.memory_space<vmem>>, vector<16xi32>,
    %swap3A_823 = vector.shape_cast %swap3A_822 : vector<16xi32> to vector<16xi32>
    %swap3A_824 = vector.shape_cast %select_n3A_820 : vector<16xi32> to vector<16xi32>
    tpu.vector_store %arg8[%swap3A_821], %swap3A_824 {strides = array<i32>} : memref<1024xi32, #tpu.memory_space<vmem>>, vector<16xi32>,
    %get3A_825 = arith.constant 736 : index
    %get3A_826 = tpu.vector_load %arg7[%get3A_825] {strides = array<i32>} : memref<1024xi32, #tpu.memory_space<vmem>>, vector<16xi32>,
    %get3A_827 = vector.shape_cast %get3A_826 : vector<16xi32> to vector<16xi32>
    %ge3A_828 = vector.broadcast %mul3A_2 : i32 to vector<16xi32>
    %ge3A_829 = arith.cmpi sge, %get3A_827, %ge3A_828 : vector<16xi32>
    %add3A_830 = arith.constant 1536 : i32
    %add3A_831 = arith.addi %mul3A_2, %add3A_830 : i32
    %lt3A_832 = vector.broadcast %add3A_831 : i32 to vector<16xi32>
    %lt3A_833 = arith.cmpi slt, %get3A_827, %lt3A_832 : vector<16xi32>
    %and3A_834 = arith.andi %ge3A_829, %lt3A_833 : vector<16xi1>
    %add3A_835 = arith.constant 49888 : i32
    %add3A_836 = vector.broadcast %add3A_835 : i32 to vector<16xi32>
    %add3A_837 = arith.addi %add3A_836, %iota3A : vector<16xi32>
    %select_n3A_838 = arith.select %and3A_834, %get3A_827, %add3A_837 : vector<16xi1>, vector<16xi32>
    %swap3A_839 = arith.constant 736 : index
    %swap3A_840 = tpu.vector_load %arg8[%swap3A_839] {strides = array<i32>} : memref<1024xi32, #tpu.memory_space<vmem>>, vector<16xi32>,
    %swap3A_841 = vector.shape_cast %swap3A_840 : vector<16xi32> to vector<16xi32>
    %swap3A_842 = vector.shape_cast %select_n3A_838 : vector<16xi32> to vector<16xi32>
    tpu.vector_store %arg8[%swap3A_839], %swap3A_842 {strides = array<i32>} : memref<1024xi32, #tpu.memory_space<vmem>>, vector<16xi32>,
    %get3A_843 = arith.constant 752 : index
    %get3A_844 = tpu.vector_load %arg7[%get3A_843] {strides = array<i32>} : memref<1024xi32, #tpu.memory_space<vmem>>, vector<16xi32>,
    %get3A_845 = vector.shape_cast %get3A_844 : vector<16xi32> to vector<16xi32>
    %ge3A_846 = vector.broadcast %mul3A_2 : i32 to vector<16xi32>
    %ge3A_847 = arith.cmpi sge, %get3A_845, %ge3A_846 : vector<16xi32>
    %add3A_848 = arith.constant 1536 : i32
    %add3A_849 = arith.addi %mul3A_2, %add3A_848 : i32
    %lt3A_850 = vector.broadcast %add3A_849 : i32 to vector<16xi32>
    %lt3A_851 = arith.cmpi slt, %get3A_845, %lt3A_850 : vector<16xi32>
    %and3A_852 = arith.andi %ge3A_847, %lt3A_851 : vector<16xi1>
    %add3A_853 = arith.constant 49904 : i32
    %add3A_854 = vector.broadcast %add3A_853 : i32 to vector<16xi32>
    %add3A_855 = arith.addi %add3A_854, %iota3A : vector<16xi32>
    %select_n3A_856 = arith.select %and3A_852, %get3A_845, %add3A_855 : vector<16xi1>, vector<16xi32>
    %swap3A_857 = arith.constant 752 : index
    %swap3A_858 = tpu.vector_load %arg8[%swap3A_857] {strides = array<i32>} : memref<1024xi32, #tpu.memory_space<vmem>>, vector<16xi32>,
    %swap3A_859 = vector.shape_cast %swap3A_858 : vector<16xi32> to vector<16xi32>
    %swap3A_860 = vector.shape_cast %select_n3A_856 : vector<16xi32> to vector<16xi32>
    tpu.vector_store %arg8[%swap3A_857], %swap3A_860 {strides = array<i32>} : memref<1024xi32, #tpu.memory_space<vmem>>, vector<16xi32>,
    %get3A_861 = arith.constant 768 : index
    %get3A_862 = tpu.vector_load %arg7[%get3A_861] {strides = array<i32>} : memref<1024xi32, #tpu.memory_space<vmem>>, vector<16xi32>,
    %get3A_863 = vector.shape_cast %get3A_862 : vector<16xi32> to vector<16xi32>
    %ge3A_864 = vector.broadcast %mul3A_2 : i32 to vector<16xi32>
    %ge3A_865 = arith.cmpi sge, %get3A_863, %ge3A_864 : vector<16xi32>
    %add3A_866 = arith.constant 1536 : i32
    %add3A_867 = arith.addi %mul3A_2, %add3A_866 : i32
    %lt3A_868 = vector.broadcast %add3A_867 : i32 to vector<16xi32>
    %lt3A_869 = arith.cmpi slt, %get3A_863, %lt3A_868 : vector<16xi32>
    %and3A_870 = arith.andi %ge3A_865, %lt3A_869 : vector<16xi1>
    %add3A_871 = arith.constant 49920 : i32
    %add3A_872 = vector.broadcast %add3A_871 : i32 to vector<16xi32>
    %add3A_873 = arith.addi %add3A_872, %iota3A : vector<16xi32>
    %select_n3A_874 = arith.select %and3A_870, %get3A_863, %add3A_873 : vector<16xi1>, vector<16xi32>
    %swap3A_875 = arith.constant 768 : index
    %swap3A_876 = tpu.vector_load %arg8[%swap3A_875] {strides = array<i32>} : memref<1024xi32, #tpu.memory_space<vmem>>, vector<16xi32>,
    %swap3A_877 = vector.shape_cast %swap3A_876 : vector<16xi32> to vector<16xi32>
    %swap3A_878 = vector.shape_cast %select_n3A_874 : vector<16xi32> to vector<16xi32>
    tpu.vector_store %arg8[%swap3A_875], %swap3A_878 {strides = array<i32>} : memref<1024xi32, #tpu.memory_space<vmem>>, vector<16xi32>,
    %get3A_879 = arith.constant 784 : index
    %get3A_880 = tpu.vector_load %arg7[%get3A_879] {strides = array<i32>} : memref<1024xi32, #tpu.memory_space<vmem>>, vector<16xi32>,
    %get3A_881 = vector.shape_cast %get3A_880 : vector<16xi32> to vector<16xi32>
    %ge3A_882 = vector.broadcast %mul3A_2 : i32 to vector<16xi32>
    %ge3A_883 = arith.cmpi sge, %get3A_881, %ge3A_882 : vector<16xi32>
    %add3A_884 = arith.constant 1536 : i32
    %add3A_885 = arith.addi %mul3A_2, %add3A_884 : i32
    %lt3A_886 = vector.broadcast %add3A_885 : i32 to vector<16xi32>
    %lt3A_887 = arith.cmpi slt, %get3A_881, %lt3A_886 : vector<16xi32>
    %and3A_888 = arith.andi %ge3A_883, %lt3A_887 : vector<16xi1>
    %add3A_889 = arith.constant 49936 : i32
    %add3A_890 = vector.broadcast %add3A_889 : i32 to vector<16xi32>
    %add3A_891 = arith.addi %add3A_890, %iota3A : vector<16xi32>
    %select_n3A_892 = arith.select %and3A_888, %get3A_881, %add3A_891 : vector<16xi1>, vector<16xi32>
    %swap3A_893 = arith.constant 784 : index
    %swap3A_894 = tpu.vector_load %arg8[%swap3A_893] {strides = array<i32>} : memref<1024xi32, #tpu.memory_space<vmem>>, vector<16xi32>,
    %swap3A_895 = vector.shape_cast %swap3A_894 : vector<16xi32> to vector<16xi32>
    %swap3A_896 = vector.shape_cast %select_n3A_892 : vector<16xi32> to vector<16xi32>
    tpu.vector_store %arg8[%swap3A_893], %swap3A_896 {strides = array<i32>} : memref<1024xi32, #tpu.memory_space<vmem>>, vector<16xi32>,
    %get3A_897 = arith.constant 800 : index
    %get3A_898 = tpu.vector_load %arg7[%get3A_897] {strides = array<i32>} : memref<1024xi32, #tpu.memory_space<vmem>>, vector<16xi32>,
    %get3A_899 = vector.shape_cast %get3A_898 : vector<16xi32> to vector<16xi32>
    %ge3A_900 = vector.broadcast %mul3A_2 : i32 to vector<16xi32>
    %ge3A_901 = arith.cmpi sge, %get3A_899, %ge3A_900 : vector<16xi32>
    %add3A_902 = arith.constant 1536 : i32
    %add3A_903 = arith.addi %mul3A_2, %add3A_902 : i32
    %lt3A_904 = vector.broadcast %add3A_903 : i32 to vector<16xi32>
    %lt3A_905 = arith.cmpi slt, %get3A_899, %lt3A_904 : vector<16xi32>
    %and3A_906 = arith.andi %ge3A_901, %lt3A_905 : vector<16xi1>
    %add3A_907 = arith.constant 49952 : i32
    %add3A_908 = vector.broadcast %add3A_907 : i32 to vector<16xi32>
    %add3A_909 = arith.addi %add3A_908, %iota3A : vector<16xi32>
    %select_n3A_910 = arith.select %and3A_906, %get3A_899, %add3A_909 : vector<16xi1>, vector<16xi32>
    %swap3A_911 = arith.constant 800 : index
    %swap3A_912 = tpu.vector_load %arg8[%swap3A_911] {strides = array<i32>} : memref<1024xi32, #tpu.memory_space<vmem>>, vector<16xi32>,
    %swap3A_913 = vector.shape_cast %swap3A_912 : vector<16xi32> to vector<16xi32>
    %swap3A_914 = vector.shape_cast %select_n3A_910 : vector<16xi32> to vector<16xi32>
    tpu.vector_store %arg8[%swap3A_911], %swap3A_914 {strides = array<i32>} : memref<1024xi32, #tpu.memory_space<vmem>>, vector<16xi32>,
    %get3A_915 = arith.constant 816 : index
    %get3A_916 = tpu.vector_load %arg7[%get3A_915] {strides = array<i32>} : memref<1024xi32, #tpu.memory_space<vmem>>, vector<16xi32>,
    %get3A_917 = vector.shape_cast %get3A_916 : vector<16xi32> to vector<16xi32>
    %ge3A_918 = vector.broadcast %mul3A_2 : i32 to vector<16xi32>
    %ge3A_919 = arith.cmpi sge, %get3A_917, %ge3A_918 : vector<16xi32>
    %add3A_920 = arith.constant 1536 : i32
    %add3A_921 = arith.addi %mul3A_2, %add3A_920 : i32
    %lt3A_922 = vector.broadcast %add3A_921 : i32 to vector<16xi32>
    %lt3A_923 = arith.cmpi slt, %get3A_917, %lt3A_922 : vector<16xi32>
    %and3A_924 = arith.andi %ge3A_919, %lt3A_923 : vector<16xi1>
    %add3A_925 = arith.constant 49968 : i32
    %add3A_926 = vector.broadcast %add3A_925 : i32 to vector<16xi32>
    %add3A_927 = arith.addi %add3A_926, %iota3A : vector<16xi32>
    %select_n3A_928 = arith.select %and3A_924, %get3A_917, %add3A_927 : vector<16xi1>, vector<16xi32>
    %swap3A_929 = arith.constant 816 : index
    %swap3A_930 = tpu.vector_load %arg8[%swap3A_929] {strides = array<i32>} : memref<1024xi32, #tpu.memory_space<vmem>>, vector<16xi32>,
    %swap3A_931 = vector.shape_cast %swap3A_930 : vector<16xi32> to vector<16xi32>
    %swap3A_932 = vector.shape_cast %select_n3A_928 : vector<16xi32> to vector<16xi32>
    tpu.vector_store %arg8[%swap3A_929], %swap3A_932 {strides = array<i32>} : memref<1024xi32, #tpu.memory_space<vmem>>, vector<16xi32>,
    %get3A_933 = arith.constant 832 : index
    %get3A_934 = tpu.vector_load %arg7[%get3A_933] {strides = array<i32>} : memref<1024xi32, #tpu.memory_space<vmem>>, vector<16xi32>,
    %get3A_935 = vector.shape_cast %get3A_934 : vector<16xi32> to vector<16xi32>
    %ge3A_936 = vector.broadcast %mul3A_2 : i32 to vector<16xi32>
    %ge3A_937 = arith.cmpi sge, %get3A_935, %ge3A_936 : vector<16xi32>
    %add3A_938 = arith.constant 1536 : i32
    %add3A_939 = arith.addi %mul3A_2, %add3A_938 : i32
    %lt3A_940 = vector.broadcast %add3A_939 : i32 to vector<16xi32>
    %lt3A_941 = arith.cmpi slt, %get3A_935, %lt3A_940 : vector<16xi32>
    %and3A_942 = arith.andi %ge3A_937, %lt3A_941 : vector<16xi1>
    %add3A_943 = arith.constant 49984 : i32
    %add3A_944 = vector.broadcast %add3A_943 : i32 to vector<16xi32>
    %add3A_945 = arith.addi %add3A_944, %iota3A : vector<16xi32>
    %select_n3A_946 = arith.select %and3A_942, %get3A_935, %add3A_945 : vector<16xi1>, vector<16xi32>
    %swap3A_947 = arith.constant 832 : index
    %swap3A_948 = tpu.vector_load %arg8[%swap3A_947] {strides = array<i32>} : memref<1024xi32, #tpu.memory_space<vmem>>, vector<16xi32>,
    %swap3A_949 = vector.shape_cast %swap3A_948 : vector<16xi32> to vector<16xi32>
    %swap3A_950 = vector.shape_cast %select_n3A_946 : vector<16xi32> to vector<16xi32>
    tpu.vector_store %arg8[%swap3A_947], %swap3A_950 {strides = array<i32>} : memref<1024xi32, #tpu.memory_space<vmem>>, vector<16xi32>,
    %get3A_951 = arith.constant 848 : index
    %get3A_952 = tpu.vector_load %arg7[%get3A_951] {strides = array<i32>} : memref<1024xi32, #tpu.memory_space<vmem>>, vector<16xi32>,
    %get3A_953 = vector.shape_cast %get3A_952 : vector<16xi32> to vector<16xi32>
    %ge3A_954 = vector.broadcast %mul3A_2 : i32 to vector<16xi32>
    %ge3A_955 = arith.cmpi sge, %get3A_953, %ge3A_954 : vector<16xi32>
    %add3A_956 = arith.constant 1536 : i32
    %add3A_957 = arith.addi %mul3A_2, %add3A_956 : i32
    %lt3A_958 = vector.broadcast %add3A_957 : i32 to vector<16xi32>
    %lt3A_959 = arith.cmpi slt, %get3A_953, %lt3A_958 : vector<16xi32>
    %and3A_960 = arith.andi %ge3A_955, %lt3A_959 : vector<16xi1>
    %add3A_961 = arith.constant 50000 : i32
    %add3A_962 = vector.broadcast %add3A_961 : i32 to vector<16xi32>
    %add3A_963 = arith.addi %add3A_962, %iota3A : vector<16xi32>
    %select_n3A_964 = arith.select %and3A_960, %get3A_953, %add3A_963 : vector<16xi1>, vector<16xi32>
    %swap3A_965 = arith.constant 848 : index
    %swap3A_966 = tpu.vector_load %arg8[%swap3A_965] {strides = array<i32>} : memref<1024xi32, #tpu.memory_space<vmem>>, vector<16xi32>,
    %swap3A_967 = vector.shape_cast %swap3A_966 : vector<16xi32> to vector<16xi32>
    %swap3A_968 = vector.shape_cast %select_n3A_964 : vector<16xi32> to vector<16xi32>
    tpu.vector_store %arg8[%swap3A_965], %swap3A_968 {strides = array<i32>} : memref<1024xi32, #tpu.memory_space<vmem>>, vector<16xi32>,
    %get3A_969 = arith.constant 864 : index
    %get3A_970 = tpu.vector_load %arg7[%get3A_969] {strides = array<i32>} : memref<1024xi32, #tpu.memory_space<vmem>>, vector<16xi32>,
    %get3A_971 = vector.shape_cast %get3A_970 : vector<16xi32> to vector<16xi32>
    %ge3A_972 = vector.broadcast %mul3A_2 : i32 to vector<16xi32>
    %ge3A_973 = arith.cmpi sge, %get3A_971, %ge3A_972 : vector<16xi32>
    %add3A_974 = arith.constant 1536 : i32
    %add3A_975 = arith.addi %mul3A_2, %add3A_974 : i32
    %lt3A_976 = vector.broadcast %add3A_975 : i32 to vector<16xi32>
    %lt3A_977 = arith.cmpi slt, %get3A_971, %lt3A_976 : vector<16xi32>
    %and3A_978 = arith.andi %ge3A_973, %lt3A_977 : vector<16xi1>
    %add3A_979 = arith.constant 50016 : i32
    %add3A_980 = vector.broadcast %add3A_979 : i32 to vector<16xi32>
    %add3A_981 = arith.addi %add3A_980, %iota3A : vector<16xi32>
    %select_n3A_982 = arith.select %and3A_978, %get3A_971, %add3A_981 : vector<16xi1>, vector<16xi32>
    %swap3A_983 = arith.constant 864 : index
    %swap3A_984 = tpu.vector_load %arg8[%swap3A_983] {strides = array<i32>} : memref<1024xi32, #tpu.memory_space<vmem>>, vector<16xi32>,
    %swap3A_985 = vector.shape_cast %swap3A_984 : vector<16xi32> to vector<16xi32>
    %swap3A_986 = vector.shape_cast %select_n3A_982 : vector<16xi32> to vector<16xi32>
    tpu.vector_store %arg8[%swap3A_983], %swap3A_986 {strides = array<i32>} : memref<1024xi32, #tpu.memory_space<vmem>>, vector<16xi32>,
    %get3A_987 = arith.constant 880 : index
    %get3A_988 = tpu.vector_load %arg7[%get3A_987] {strides = array<i32>} : memref<1024xi32, #tpu.memory_space<vmem>>, vector<16xi32>,
    %get3A_989 = vector.shape_cast %get3A_988 : vector<16xi32> to vector<16xi32>
    %ge3A_990 = vector.broadcast %mul3A_2 : i32 to vector<16xi32>
    %ge3A_991 = arith.cmpi sge, %get3A_989, %ge3A_990 : vector<16xi32>
    %add3A_992 = arith.constant 1536 : i32
    %add3A_993 = arith.addi %mul3A_2, %add3A_992 : i32
    %lt3A_994 = vector.broadcast %add3A_993 : i32 to vector<16xi32>
    %lt3A_995 = arith.cmpi slt, %get3A_989, %lt3A_994 : vector<16xi32>
    %and3A_996 = arith.andi %ge3A_991, %lt3A_995 : vector<16xi1>
    %add3A_997 = arith.constant 50032 : i32
    %add3A_998 = vector.broadcast %add3A_997 : i32 to vector<16xi32>
    %add3A_999 = arith.addi %add3A_998, %iota3A : vector<16xi32>
    %select_n3A_1000 = arith.select %and3A_996, %get3A_989, %add3A_999 : vector<16xi1>, vector<16xi32>
    %swap3A_1001 = arith.constant 880 : index
    %swap3A_1002 = tpu.vector_load %arg8[%swap3A_1001] {strides = array<i32>} : memref<1024xi32, #tpu.memory_space<vmem>>, vector<16xi32>,
    %swap3A_1003 = vector.shape_cast %swap3A_1002 : vector<16xi32> to vector<16xi32>
    %swap3A_1004 = vector.shape_cast %select_n3A_1000 : vector<16xi32> to vector<16xi32>
    tpu.vector_store %arg8[%swap3A_1001], %swap3A_1004 {strides = array<i32>} : memref<1024xi32, #tpu.memory_space<vmem>>, vector<16xi32>,
    %get3A_1005 = arith.constant 896 : index
    %get3A_1006 = tpu.vector_load %arg7[%get3A_1005] {strides = array<i32>} : memref<1024xi32, #tpu.memory_space<vmem>>, vector<16xi32>,
    %get3A_1007 = vector.shape_cast %get3A_1006 : vector<16xi32> to vector<16xi32>
    %ge3A_1008 = vector.broadcast %mul3A_2 : i32 to vector<16xi32>
    %ge3A_1009 = arith.cmpi sge, %get3A_1007, %ge3A_1008 : vector<16xi32>
    %add3A_1010 = arith.constant 1536 : i32
    %add3A_1011 = arith.addi %mul3A_2, %add3A_1010 : i32
    %lt3A_1012 = vector.broadcast %add3A_1011 : i32 to vector<16xi32>
    %lt3A_1013 = arith.cmpi slt, %get3A_1007, %lt3A_1012 : vector<16xi32>
    %and3A_1014 = arith.andi %ge3A_1009, %lt3A_1013 : vector<16xi1>
    %add3A_1015 = arith.constant 50048 : i32
    %add3A_1016 = vector.broadcast %add3A_1015 : i32 to vector<16xi32>
    %add3A_1017 = arith.addi %add3A_1016, %iota3A : vector<16xi32>
    %select_n3A_1018 = arith.select %and3A_1014, %get3A_1007, %add3A_1017 : vector<16xi1>, vector<16xi32>
    %swap3A_1019 = arith.constant 896 : index
    %swap3A_1020 = tpu.vector_load %arg8[%swap3A_1019] {strides = array<i32>} : memref<1024xi32, #tpu.memory_space<vmem>>, vector<16xi32>,
    %swap3A_1021 = vector.shape_cast %swap3A_1020 : vector<16xi32> to vector<16xi32>
    %swap3A_1022 = vector.shape_cast %select_n3A_1018 : vector<16xi32> to vector<16xi32>
    tpu.vector_store %arg8[%swap3A_1019], %swap3A_1022 {strides = array<i32>} : memref<1024xi32, #tpu.memory_space<vmem>>, vector<16xi32>,
    %get3A_1023 = arith.constant 912 : index
    %get3A_1024 = tpu.vector_load %arg7[%get3A_1023] {strides = array<i32>} : memref<1024xi32, #tpu.memory_space<vmem>>, vector<16xi32>,
    %get3A_1025 = vector.shape_cast %get3A_1024 : vector<16xi32> to vector<16xi32>
    %ge3A_1026 = vector.broadcast %mul3A_2 : i32 to vector<16xi32>
    %ge3A_1027 = arith.cmpi sge, %get3A_1025, %ge3A_1026 : vector<16xi32>
    %add3A_1028 = arith.constant 1536 : i32
    %add3A_1029 = arith.addi %mul3A_2, %add3A_1028 : i32
    %lt3A_1030 = vector.broadcast %add3A_1029 : i32 to vector<16xi32>
    %lt3A_1031 = arith.cmpi slt, %get3A_1025, %lt3A_1030 : vector<16xi32>
    %and3A_1032 = arith.andi %ge3A_1027, %lt3A_1031 : vector<16xi1>
    %add3A_1033 = arith.constant 50064 : i32
    %add3A_1034 = vector.broadcast %add3A_1033 : i32 to vector<16xi32>
    %add3A_1035 = arith.addi %add3A_1034, %iota3A : vector<16xi32>
    %select_n3A_1036 = arith.select %and3A_1032, %get3A_1025, %add3A_1035 : vector<16xi1>, vector<16xi32>
    %swap3A_1037 = arith.constant 912 : index
    %swap3A_1038 = tpu.vector_load %arg8[%swap3A_1037] {strides = array<i32>} : memref<1024xi32, #tpu.memory_space<vmem>>, vector<16xi32>,
    %swap3A_1039 = vector.shape_cast %swap3A_1038 : vector<16xi32> to vector<16xi32>
    %swap3A_1040 = vector.shape_cast %select_n3A_1036 : vector<16xi32> to vector<16xi32>
    tpu.vector_store %arg8[%swap3A_1037], %swap3A_1040 {strides = array<i32>} : memref<1024xi32, #tpu.memory_space<vmem>>, vector<16xi32>,
    %get3A_1041 = arith.constant 928 : index
    %get3A_1042 = tpu.vector_load %arg7[%get3A_1041] {strides = array<i32>} : memref<1024xi32, #tpu.memory_space<vmem>>, vector<16xi32>,
    %get3A_1043 = vector.shape_cast %get3A_1042 : vector<16xi32> to vector<16xi32>
    %ge3A_1044 = vector.broadcast %mul3A_2 : i32 to vector<16xi32>
    %ge3A_1045 = arith.cmpi sge, %get3A_1043, %ge3A_1044 : vector<16xi32>
    %add3A_1046 = arith.constant 1536 : i32
    %add3A_1047 = arith.addi %mul3A_2, %add3A_1046 : i32
    %lt3A_1048 = vector.broadcast %add3A_1047 : i32 to vector<16xi32>
    %lt3A_1049 = arith.cmpi slt, %get3A_1043, %lt3A_1048 : vector<16xi32>
    %and3A_1050 = arith.andi %ge3A_1045, %lt3A_1049 : vector<16xi1>
    %add3A_1051 = arith.constant 50080 : i32
    %add3A_1052 = vector.broadcast %add3A_1051 : i32 to vector<16xi32>
    %add3A_1053 = arith.addi %add3A_1052, %iota3A : vector<16xi32>
    %select_n3A_1054 = arith.select %and3A_1050, %get3A_1043, %add3A_1053 : vector<16xi1>, vector<16xi32>
    %swap3A_1055 = arith.constant 928 : index
    %swap3A_1056 = tpu.vector_load %arg8[%swap3A_1055] {strides = array<i32>} : memref<1024xi32, #tpu.memory_space<vmem>>, vector<16xi32>,
    %swap3A_1057 = vector.shape_cast %swap3A_1056 : vector<16xi32> to vector<16xi32>
    %swap3A_1058 = vector.shape_cast %select_n3A_1054 : vector<16xi32> to vector<16xi32>
    tpu.vector_store %arg8[%swap3A_1055], %swap3A_1058 {strides = array<i32>} : memref<1024xi32, #tpu.memory_space<vmem>>, vector<16xi32>,
    %get3A_1059 = arith.constant 944 : index
    %get3A_1060 = tpu.vector_load %arg7[%get3A_1059] {strides = array<i32>} : memref<1024xi32, #tpu.memory_space<vmem>>, vector<16xi32>,
    %get3A_1061 = vector.shape_cast %get3A_1060 : vector<16xi32> to vector<16xi32>
    %ge3A_1062 = vector.broadcast %mul3A_2 : i32 to vector<16xi32>
    %ge3A_1063 = arith.cmpi sge, %get3A_1061, %ge3A_1062 : vector<16xi32>
    %add3A_1064 = arith.constant 1536 : i32
    %add3A_1065 = arith.addi %mul3A_2, %add3A_1064 : i32
    %lt3A_1066 = vector.broadcast %add3A_1065 : i32 to vector<16xi32>
    %lt3A_1067 = arith.cmpi slt, %get3A_1061, %lt3A_1066 : vector<16xi32>
    %and3A_1068 = arith.andi %ge3A_1063, %lt3A_1067 : vector<16xi1>
    %add3A_1069 = arith.constant 50096 : i32
    %add3A_1070 = vector.broadcast %add3A_1069 : i32 to vector<16xi32>
    %add3A_1071 = arith.addi %add3A_1070, %iota3A : vector<16xi32>
    %select_n3A_1072 = arith.select %and3A_1068, %get3A_1061, %add3A_1071 : vector<16xi1>, vector<16xi32>
    %swap3A_1073 = arith.constant 944 : index
    %swap3A_1074 = tpu.vector_load %arg8[%swap3A_1073] {strides = array<i32>} : memref<1024xi32, #tpu.memory_space<vmem>>, vector<16xi32>,
    %swap3A_1075 = vector.shape_cast %swap3A_1074 : vector<16xi32> to vector<16xi32>
    %swap3A_1076 = vector.shape_cast %select_n3A_1072 : vector<16xi32> to vector<16xi32>
    tpu.vector_store %arg8[%swap3A_1073], %swap3A_1076 {strides = array<i32>} : memref<1024xi32, #tpu.memory_space<vmem>>, vector<16xi32>,
    %get3A_1077 = arith.constant 960 : index
    %get3A_1078 = tpu.vector_load %arg7[%get3A_1077] {strides = array<i32>} : memref<1024xi32, #tpu.memory_space<vmem>>, vector<16xi32>,
    %get3A_1079 = vector.shape_cast %get3A_1078 : vector<16xi32> to vector<16xi32>
    %ge3A_1080 = vector.broadcast %mul3A_2 : i32 to vector<16xi32>
    %ge3A_1081 = arith.cmpi sge, %get3A_1079, %ge3A_1080 : vector<16xi32>
    %add3A_1082 = arith.constant 1536 : i32
    %add3A_1083 = arith.addi %mul3A_2, %add3A_1082 : i32
    %lt3A_1084 = vector.broadcast %add3A_1083 : i32 to vector<16xi32>
    %lt3A_1085 = arith.cmpi slt, %get3A_1079, %lt3A_1084 : vector<16xi32>
    %and3A_1086 = arith.andi %ge3A_1081, %lt3A_1085 : vector<16xi1>
    %add3A_1087 = arith.constant 50112 : i32
    %add3A_1088 = vector.broadcast %add3A_1087 : i32 to vector<16xi32>
    %add3A_1089 = arith.addi %add3A_1088, %iota3A : vector<16xi32>
    %select_n3A_1090 = arith.select %and3A_1086, %get3A_1079, %add3A_1089 : vector<16xi1>, vector<16xi32>
    %swap3A_1091 = arith.constant 960 : index
    %swap3A_1092 = tpu.vector_load %arg8[%swap3A_1091] {strides = array<i32>} : memref<1024xi32, #tpu.memory_space<vmem>>, vector<16xi32>,
    %swap3A_1093 = vector.shape_cast %swap3A_1092 : vector<16xi32> to vector<16xi32>
    %swap3A_1094 = vector.shape_cast %select_n3A_1090 : vector<16xi32> to vector<16xi32>
    tpu.vector_store %arg8[%swap3A_1091], %swap3A_1094 {strides = array<i32>} : memref<1024xi32, #tpu.memory_space<vmem>>, vector<16xi32>,
    %get3A_1095 = arith.constant 976 : index
    %get3A_1096 = tpu.vector_load %arg7[%get3A_1095] {strides = array<i32>} : memref<1024xi32, #tpu.memory_space<vmem>>, vector<16xi32>,
    %get3A_1097 = vector.shape_cast %get3A_1096 : vector<16xi32> to vector<16xi32>
    %ge3A_1098 = vector.broadcast %mul3A_2 : i32 to vector<16xi32>
    %ge3A_1099 = arith.cmpi sge, %get3A_1097, %ge3A_1098 : vector<16xi32>
    %add3A_1100 = arith.constant 1536 : i32
    %add3A_1101 = arith.addi %mul3A_2, %add3A_1100 : i32
    %lt3A_1102 = vector.broadcast %add3A_1101 : i32 to vector<16xi32>
    %lt3A_1103 = arith.cmpi slt, %get3A_1097, %lt3A_1102 : vector<16xi32>
    %and3A_1104 = arith.andi %ge3A_1099, %lt3A_1103 : vector<16xi1>
    %add3A_1105 = arith.constant 50128 : i32
    %add3A_1106 = vector.broadcast %add3A_1105 : i32 to vector<16xi32>
    %add3A_1107 = arith.addi %add3A_1106, %iota3A : vector<16xi32>
    %select_n3A_1108 = arith.select %and3A_1104, %get3A_1097, %add3A_1107 : vector<16xi1>, vector<16xi32>
    %swap3A_1109 = arith.constant 976 : index
    %swap3A_1110 = tpu.vector_load %arg8[%swap3A_1109] {strides = array<i32>} : memref<1024xi32, #tpu.memory_space<vmem>>, vector<16xi32>,
    %swap3A_1111 = vector.shape_cast %swap3A_1110 : vector<16xi32> to vector<16xi32>
    %swap3A_1112 = vector.shape_cast %select_n3A_1108 : vector<16xi32> to vector<16xi32>
    tpu.vector_store %arg8[%swap3A_1109], %swap3A_1112 {strides = array<i32>} : memref<1024xi32, #tpu.memory_space<vmem>>, vector<16xi32>,
    %get3A_1113 = arith.constant 992 : index
    %get3A_1114 = tpu.vector_load %arg7[%get3A_1113] {strides = array<i32>} : memref<1024xi32, #tpu.memory_space<vmem>>, vector<16xi32>,
    %get3A_1115 = vector.shape_cast %get3A_1114 : vector<16xi32> to vector<16xi32>
    %ge3A_1116 = vector.broadcast %mul3A_2 : i32 to vector<16xi32>
    %ge3A_1117 = arith.cmpi sge, %get3A_1115, %ge3A_1116 : vector<16xi32>
    %add3A_1118 = arith.constant 1536 : i32
    %add3A_1119 = arith.addi %mul3A_2, %add3A_1118 : i32
    %lt3A_1120 = vector.broadcast %add3A_1119 : i32 to vector<16xi32>
    %lt3A_1121 = arith.cmpi slt, %get3A_1115, %lt3A_1120 : vector<16xi32>
    %and3A_1122 = arith.andi %ge3A_1117, %lt3A_1121 : vector<16xi1>
    %add3A_1123 = arith.constant 50144 : i32
    %add3A_1124 = vector.broadcast %add3A_1123 : i32 to vector<16xi32>
    %add3A_1125 = arith.addi %add3A_1124, %iota3A : vector<16xi32>
    %select_n3A_1126 = arith.select %and3A_1122, %get3A_1115, %add3A_1125 : vector<16xi1>, vector<16xi32>
    %swap3A_1127 = arith.constant 992 : index
    %swap3A_1128 = tpu.vector_load %arg8[%swap3A_1127] {strides = array<i32>} : memref<1024xi32, #tpu.memory_space<vmem>>, vector<16xi32>,
    %swap3A_1129 = vector.shape_cast %swap3A_1128 : vector<16xi32> to vector<16xi32>
    %swap3A_1130 = vector.shape_cast %select_n3A_1126 : vector<16xi32> to vector<16xi32>
    tpu.vector_store %arg8[%swap3A_1127], %swap3A_1130 {strides = array<i32>} : memref<1024xi32, #tpu.memory_space<vmem>>, vector<16xi32>,
    %get3A_1131 = arith.constant 1008 : index
    %get3A_1132 = tpu.vector_load %arg7[%get3A_1131] {strides = array<i32>} : memref<1024xi32, #tpu.memory_space<vmem>>, vector<16xi32>,
    %get3A_1133 = vector.shape_cast %get3A_1132 : vector<16xi32> to vector<16xi32>
    %ge3A_1134 = vector.broadcast %mul3A_2 : i32 to vector<16xi32>
    %ge3A_1135 = arith.cmpi sge, %get3A_1133, %ge3A_1134 : vector<16xi32>
    %add3A_1136 = arith.constant 1536 : i32
    %add3A_1137 = arith.addi %mul3A_2, %add3A_1136 : i32
    %lt3A_1138 = vector.broadcast %add3A_1137 : i32 to vector<16xi32>
    %lt3A_1139 = arith.cmpi slt, %get3A_1133, %lt3A_1138 : vector<16xi32>
    %and3A_1140 = arith.andi %ge3A_1135, %lt3A_1139 : vector<16xi1>
    %add3A_1141 = arith.constant 50160 : i32
    %add3A_1142 = vector.broadcast %add3A_1141 : i32 to vector<16xi32>
    %add3A_1143 = arith.addi %add3A_1142, %iota3A : vector<16xi32>
    %select_n3A_1144 = arith.select %and3A_1140, %get3A_1133, %add3A_1143 : vector<16xi1>, vector<16xi32>
    %swap3A_1145 = arith.constant 1008 : index
    %swap3A_1146 = tpu.vector_load %arg8[%swap3A_1145] {strides = array<i32>} : memref<1024xi32, #tpu.memory_space<vmem>>, vector<16xi32>,
    %swap3A_1147 = vector.shape_cast %swap3A_1146 : vector<16xi32> to vector<16xi32>
    %swap3A_1148 = vector.shape_cast %select_n3A_1144 : vector<16xi32> to vector<16xi32>
    tpu.vector_store %arg8[%swap3A_1145], %swap3A_1148 {strides = array<i32>} : memref<1024xi32, #tpu.memory_space<vmem>>, vector<16xi32>,
    %mul3A_1149 = arith.constant 1536 : i32
    %mul3A_1150 = arith.muli %add3A, %mul3A_1149 : i32
    %add3A_1151 = arith.constant 0 : i32
    %add3A_1152 = arith.addi %mul3A_1150, %add3A_1151 : i32
    %dma_start3A = arith.constant 0 : i32
    %dma_start3A_1153 = tpu.memref_slice %arg5[%add3A_1152, %dma_start3A] : memref<50176x64xf32, #tpu.memory_space<hbm>> -> memref<96x64xf32, #tpu.memory_space<hbm>>
    %dma_start3A_1154 = arith.constant 0 : i32
    %dma_start3A_1155 = tpu.memref_slice %arg5[%add3A_1152, %dma_start3A_1154] : memref<50176x64xf32, #tpu.memory_space<hbm>> -> memref<96x64xf32, #tpu.memory_space<hbm>>
    tpu.enqueue_dma source(%arg6 : memref<96x64xf32, #tpu.memory_space<vmem>>) target(%dma_start3A_1155 : memref<96x64xf32, #tpu.memory_space<hbm>>) target_semaphore(%arg10 : memref<!tpu.dma_semaphore, #tpu.memory_space<semaphore_mem>>)
    %mul3A_1156 = arith.constant 1536 : i32
    %mul3A_1157 = arith.muli %add3A, %mul3A_1156 : i32
    %add3A_1158 = arith.constant 96 : i32
    %add3A_1159 = arith.addi %mul3A_1157, %add3A_1158 : i32
    %dma_start3A_1160 = arith.constant 0 : i32
    %dma_start3A_1161 = tpu.memref_slice %arg5[%add3A_1159, %dma_start3A_1160] : memref<50176x64xf32, #tpu.memory_space<hbm>> -> memref<96x64xf32, #tpu.memory_space<hbm>>
    %dma_start3A_1162 = arith.constant 0 : i32
    %dma_start3A_1163 = tpu.memref_slice %arg5[%add3A_1159, %dma_start3A_1162] : memref<50176x64xf32, #tpu.memory_space<hbm>> -> memref<96x64xf32, #tpu.memory_space<hbm>>
    tpu.enqueue_dma source(%arg6 : memref<96x64xf32, #tpu.memory_space<vmem>>) target(%dma_start3A_1163 : memref<96x64xf32, #tpu.memory_space<hbm>>) target_semaphore(%arg10 : memref<!tpu.dma_semaphore, #tpu.memory_space<semaphore_mem>>)
    %mul3A_1164 = arith.constant 1536 : i32
    %mul3A_1165 = arith.muli %add3A, %mul3A_1164 : i32
    %add3A_1166 = arith.constant 192 : i32
    %add3A_1167 = arith.addi %mul3A_1165, %add3A_1166 : i32
    %dma_start3A_1168 = arith.constant 0 : i32
    %dma_start3A_1169 = tpu.memref_slice %arg5[%add3A_1167, %dma_start3A_1168] : memref<50176x64xf32, #tpu.memory_space<hbm>> -> memref<96x64xf32, #tpu.memory_space<hbm>>
    %dma_start3A_1170 = arith.constant 0 : i32
    %dma_start3A_1171 = tpu.memref_slice %arg5[%add3A_1167, %dma_start3A_1170] : memref<50176x64xf32, #tpu.memory_space<hbm>> -> memref<96x64xf32, #tpu.memory_space<hbm>>
    tpu.enqueue_dma source(%arg6 : memref<96x64xf32, #tpu.memory_space<vmem>>) target(%dma_start3A_1171 : memref<96x64xf32, #tpu.memory_space<hbm>>) target_semaphore(%arg10 : memref<!tpu.dma_semaphore, #tpu.memory_space<semaphore_mem>>)
    %mul3A_1172 = arith.constant 1536 : i32
    %mul3A_1173 = arith.muli %add3A, %mul3A_1172 : i32
    %add3A_1174 = arith.constant 288 : i32
    %add3A_1175 = arith.addi %mul3A_1173, %add3A_1174 : i32
    %dma_start3A_1176 = arith.constant 0 : i32
    %dma_start3A_1177 = tpu.memref_slice %arg5[%add3A_1175, %dma_start3A_1176] : memref<50176x64xf32, #tpu.memory_space<hbm>> -> memref<96x64xf32, #tpu.memory_space<hbm>>
    %dma_start3A_1178 = arith.constant 0 : i32
    %dma_start3A_1179 = tpu.memref_slice %arg5[%add3A_1175, %dma_start3A_1178] : memref<50176x64xf32, #tpu.memory_space<hbm>> -> memref<96x64xf32, #tpu.memory_space<hbm>>
    tpu.enqueue_dma source(%arg6 : memref<96x64xf32, #tpu.memory_space<vmem>>) target(%dma_start3A_1179 : memref<96x64xf32, #tpu.memory_space<hbm>>) target_semaphore(%arg10 : memref<!tpu.dma_semaphore, #tpu.memory_space<semaphore_mem>>)
    %mul3A_1180 = arith.constant 1536 : i32
    %mul3A_1181 = arith.muli %add3A, %mul3A_1180 : i32
    %add3A_1182 = arith.constant 384 : i32
    %add3A_1183 = arith.addi %mul3A_1181, %add3A_1182 : i32
    %dma_start3A_1184 = arith.constant 0 : i32
    %dma_start3A_1185 = tpu.memref_slice %arg5[%add3A_1183, %dma_start3A_1184] : memref<50176x64xf32, #tpu.memory_space<hbm>> -> memref<96x64xf32, #tpu.memory_space<hbm>>
    %dma_start3A_1186 = arith.constant 0 : i32
    %dma_start3A_1187 = tpu.memref_slice %arg5[%add3A_1183, %dma_start3A_1186] : memref<50176x64xf32, #tpu.memory_space<hbm>> -> memref<96x64xf32, #tpu.memory_space<hbm>>
    tpu.enqueue_dma source(%arg6 : memref<96x64xf32, #tpu.memory_space<vmem>>) target(%dma_start3A_1187 : memref<96x64xf32, #tpu.memory_space<hbm>>) target_semaphore(%arg10 : memref<!tpu.dma_semaphore, #tpu.memory_space<semaphore_mem>>)
    %mul3A_1188 = arith.constant 1536 : i32
    %mul3A_1189 = arith.muli %add3A, %mul3A_1188 : i32
    %add3A_1190 = arith.constant 480 : i32
    %add3A_1191 = arith.addi %mul3A_1189, %add3A_1190 : i32
    %dma_start3A_1192 = arith.constant 0 : i32
    %dma_start3A_1193 = tpu.memref_slice %arg5[%add3A_1191, %dma_start3A_1192] : memref<50176x64xf32, #tpu.memory_space<hbm>> -> memref<96x64xf32, #tpu.memory_space<hbm>>
    %dma_start3A_1194 = arith.constant 0 : i32
    %dma_start3A_1195 = tpu.memref_slice %arg5[%add3A_1191, %dma_start3A_1194] : memref<50176x64xf32, #tpu.memory_space<hbm>> -> memref<96x64xf32, #tpu.memory_space<hbm>>
    tpu.enqueue_dma source(%arg6 : memref<96x64xf32, #tpu.memory_space<vmem>>) target(%dma_start3A_1195 : memref<96x64xf32, #tpu.memory_space<hbm>>) target_semaphore(%arg10 : memref<!tpu.dma_semaphore, #tpu.memory_space<semaphore_mem>>)
    %mul3A_1196 = arith.constant 1536 : i32
    %mul3A_1197 = arith.muli %add3A, %mul3A_1196 : i32
    %add3A_1198 = arith.constant 576 : i32
    %add3A_1199 = arith.addi %mul3A_1197, %add3A_1198 : i32
    %dma_start3A_1200 = arith.constant 0 : i32
    %dma_start3A_1201 = tpu.memref_slice %arg5[%add3A_1199, %dma_start3A_1200] : memref<50176x64xf32, #tpu.memory_space<hbm>> -> memref<96x64xf32, #tpu.memory_space<hbm>>
    %dma_start3A_1202 = arith.constant 0 : i32
    %dma_start3A_1203 = tpu.memref_slice %arg5[%add3A_1199, %dma_start3A_1202] : memref<50176x64xf32, #tpu.memory_space<hbm>> -> memref<96x64xf32, #tpu.memory_space<hbm>>
    tpu.enqueue_dma source(%arg6 : memref<96x64xf32, #tpu.memory_space<vmem>>) target(%dma_start3A_1203 : memref<96x64xf32, #tpu.memory_space<hbm>>) target_semaphore(%arg10 : memref<!tpu.dma_semaphore, #tpu.memory_space<semaphore_mem>>)
    %mul3A_1204 = arith.constant 1536 : i32
    %mul3A_1205 = arith.muli %add3A, %mul3A_1204 : i32
    %add3A_1206 = arith.constant 672 : i32
    %add3A_1207 = arith.addi %mul3A_1205, %add3A_1206 : i32
    %dma_start3A_1208 = arith.constant 0 : i32
    %dma_start3A_1209 = tpu.memref_slice %arg5[%add3A_1207, %dma_start3A_1208] : memref<50176x64xf32, #tpu.memory_space<hbm>> -> memref<96x64xf32, #tpu.memory_space<hbm>>
    %dma_start3A_1210 = arith.constant 0 : i32
    %dma_start3A_1211 = tpu.memref_slice %arg5[%add3A_1207, %dma_start3A_1210] : memref<50176x64xf32, #tpu.memory_space<hbm>> -> memref<96x64xf32, #tpu.memory_space<hbm>>
    tpu.enqueue_dma source(%arg6 : memref<96x64xf32, #tpu.memory_space<vmem>>) target(%dma_start3A_1211 : memref<96x64xf32, #tpu.memory_space<hbm>>) target_semaphore(%arg10 : memref<!tpu.dma_semaphore, #tpu.memory_space<semaphore_mem>>)
    %mul3A_1212 = arith.constant 1536 : i32
    %mul3A_1213 = arith.muli %add3A, %mul3A_1212 : i32
    %add3A_1214 = arith.constant 768 : i32
    %add3A_1215 = arith.addi %mul3A_1213, %add3A_1214 : i32
    %dma_start3A_1216 = arith.constant 0 : i32
    %dma_start3A_1217 = tpu.memref_slice %arg5[%add3A_1215, %dma_start3A_1216] : memref<50176x64xf32, #tpu.memory_space<hbm>> -> memref<96x64xf32, #tpu.memory_space<hbm>>
    %dma_start3A_1218 = arith.constant 0 : i32
    %dma_start3A_1219 = tpu.memref_slice %arg5[%add3A_1215, %dma_start3A_1218] : memref<50176x64xf32, #tpu.memory_space<hbm>> -> memref<96x64xf32, #tpu.memory_space<hbm>>
    tpu.enqueue_dma source(%arg6 : memref<96x64xf32, #tpu.memory_space<vmem>>) target(%dma_start3A_1219 : memref<96x64xf32, #tpu.memory_space<hbm>>) target_semaphore(%arg10 : memref<!tpu.dma_semaphore, #tpu.memory_space<semaphore_mem>>)
    %mul3A_1220 = arith.constant 1536 : i32
    %mul3A_1221 = arith.muli %add3A, %mul3A_1220 : i32
    %add3A_1222 = arith.constant 864 : i32
    %add3A_1223 = arith.addi %mul3A_1221, %add3A_1222 : i32
    %dma_start3A_1224 = arith.constant 0 : i32
    %dma_start3A_1225 = tpu.memref_slice %arg5[%add3A_1223, %dma_start3A_1224] : memref<50176x64xf32, #tpu.memory_space<hbm>> -> memref<96x64xf32, #tpu.memory_space<hbm>>
    %dma_start3A_1226 = arith.constant 0 : i32
    %dma_start3A_1227 = tpu.memref_slice %arg5[%add3A_1223, %dma_start3A_1226] : memref<50176x64xf32, #tpu.memory_space<hbm>> -> memref<96x64xf32, #tpu.memory_space<hbm>>
    tpu.enqueue_dma source(%arg6 : memref<96x64xf32, #tpu.memory_space<vmem>>) target(%dma_start3A_1227 : memref<96x64xf32, #tpu.memory_space<hbm>>) target_semaphore(%arg10 : memref<!tpu.dma_semaphore, #tpu.memory_space<semaphore_mem>>)
    %mul3A_1228 = arith.constant 1536 : i32
    %mul3A_1229 = arith.muli %add3A, %mul3A_1228 : i32
    %add3A_1230 = arith.constant 960 : i32
    %add3A_1231 = arith.addi %mul3A_1229, %add3A_1230 : i32
    %dma_start3A_1232 = arith.constant 0 : i32
    %dma_start3A_1233 = tpu.memref_slice %arg5[%add3A_1231, %dma_start3A_1232] : memref<50176x64xf32, #tpu.memory_space<hbm>> -> memref<96x64xf32, #tpu.memory_space<hbm>>
    %dma_start3A_1234 = arith.constant 0 : i32
    %dma_start3A_1235 = tpu.memref_slice %arg5[%add3A_1231, %dma_start3A_1234] : memref<50176x64xf32, #tpu.memory_space<hbm>> -> memref<96x64xf32, #tpu.memory_space<hbm>>
    tpu.enqueue_dma source(%arg6 : memref<96x64xf32, #tpu.memory_space<vmem>>) target(%dma_start3A_1235 : memref<96x64xf32, #tpu.memory_space<hbm>>) target_semaphore(%arg10 : memref<!tpu.dma_semaphore, #tpu.memory_space<semaphore_mem>>)
    %mul3A_1236 = arith.constant 1536 : i32
    %mul3A_1237 = arith.muli %add3A, %mul3A_1236 : i32
    %add3A_1238 = arith.constant 1056 : i32
    %add3A_1239 = arith.addi %mul3A_1237, %add3A_1238 : i32
    %dma_start3A_1240 = arith.constant 0 : i32
    %dma_start3A_1241 = tpu.memref_slice %arg5[%add3A_1239, %dma_start3A_1240] : memref<50176x64xf32, #tpu.memory_space<hbm>> -> memref<96x64xf32, #tpu.memory_space<hbm>>
    %dma_start3A_1242 = arith.constant 0 : i32
    %dma_start3A_1243 = tpu.memref_slice %arg5[%add3A_1239, %dma_start3A_1242] : memref<50176x64xf32, #tpu.memory_space<hbm>> -> memref<96x64xf32, #tpu.memory_space<hbm>>
    tpu.enqueue_dma source(%arg6 : memref<96x64xf32, #tpu.memory_space<vmem>>) target(%dma_start3A_1243 : memref<96x64xf32, #tpu.memory_space<hbm>>) target_semaphore(%arg10 : memref<!tpu.dma_semaphore, #tpu.memory_space<semaphore_mem>>)
    %mul3A_1244 = arith.constant 1536 : i32
    %mul3A_1245 = arith.muli %add3A, %mul3A_1244 : i32
    %add3A_1246 = arith.constant 1152 : i32
    %add3A_1247 = arith.addi %mul3A_1245, %add3A_1246 : i32
    %dma_start3A_1248 = arith.constant 0 : i32
    %dma_start3A_1249 = tpu.memref_slice %arg5[%add3A_1247, %dma_start3A_1248] : memref<50176x64xf32, #tpu.memory_space<hbm>> -> memref<96x64xf32, #tpu.memory_space<hbm>>
    %dma_start3A_1250 = arith.constant 0 : i32
    %dma_start3A_1251 = tpu.memref_slice %arg5[%add3A_1247, %dma_start3A_1250] : memref<50176x64xf32, #tpu.memory_space<hbm>> -> memref<96x64xf32, #tpu.memory_space<hbm>>
    tpu.enqueue_dma source(%arg6 : memref<96x64xf32, #tpu.memory_space<vmem>>) target(%dma_start3A_1251 : memref<96x64xf32, #tpu.memory_space<hbm>>) target_semaphore(%arg10 : memref<!tpu.dma_semaphore, #tpu.memory_space<semaphore_mem>>)
    %mul3A_1252 = arith.constant 1536 : i32
    %mul3A_1253 = arith.muli %add3A, %mul3A_1252 : i32
    %add3A_1254 = arith.constant 1248 : i32
    %add3A_1255 = arith.addi %mul3A_1253, %add3A_1254 : i32
    %dma_start3A_1256 = arith.constant 0 : i32
    %dma_start3A_1257 = tpu.memref_slice %arg5[%add3A_1255, %dma_start3A_1256] : memref<50176x64xf32, #tpu.memory_space<hbm>> -> memref<96x64xf32, #tpu.memory_space<hbm>>
    %dma_start3A_1258 = arith.constant 0 : i32
    %dma_start3A_1259 = tpu.memref_slice %arg5[%add3A_1255, %dma_start3A_1258] : memref<50176x64xf32, #tpu.memory_space<hbm>> -> memref<96x64xf32, #tpu.memory_space<hbm>>
    tpu.enqueue_dma source(%arg6 : memref<96x64xf32, #tpu.memory_space<vmem>>) target(%dma_start3A_1259 : memref<96x64xf32, #tpu.memory_space<hbm>>) target_semaphore(%arg10 : memref<!tpu.dma_semaphore, #tpu.memory_space<semaphore_mem>>)
    %mul3A_1260 = arith.constant 1536 : i32
    %mul3A_1261 = arith.muli %add3A, %mul3A_1260 : i32
    %add3A_1262 = arith.constant 1344 : i32
    %add3A_1263 = arith.addi %mul3A_1261, %add3A_1262 : i32
    %dma_start3A_1264 = arith.constant 0 : i32
    %dma_start3A_1265 = tpu.memref_slice %arg5[%add3A_1263, %dma_start3A_1264] : memref<50176x64xf32, #tpu.memory_space<hbm>> -> memref<96x64xf32, #tpu.memory_space<hbm>>
    %dma_start3A_1266 = arith.constant 0 : i32
    %dma_start3A_1267 = tpu.memref_slice %arg5[%add3A_1263, %dma_start3A_1266] : memref<50176x64xf32, #tpu.memory_space<hbm>> -> memref<96x64xf32, #tpu.memory_space<hbm>>
    tpu.enqueue_dma source(%arg6 : memref<96x64xf32, #tpu.memory_space<vmem>>) target(%dma_start3A_1267 : memref<96x64xf32, #tpu.memory_space<hbm>>) target_semaphore(%arg10 : memref<!tpu.dma_semaphore, #tpu.memory_space<semaphore_mem>>)
    %mul3A_1268 = arith.constant 1536 : i32
    %mul3A_1269 = arith.muli %add3A, %mul3A_1268 : i32
    %add3A_1270 = arith.constant 1440 : i32
    %add3A_1271 = arith.addi %mul3A_1269, %add3A_1270 : i32
    %dma_start3A_1272 = arith.constant 0 : i32
    %dma_start3A_1273 = tpu.memref_slice %arg5[%add3A_1271, %dma_start3A_1272] : memref<50176x64xf32, #tpu.memory_space<hbm>> -> memref<96x64xf32, #tpu.memory_space<hbm>>
    %dma_start3A_1274 = arith.constant 0 : i32
    %dma_start3A_1275 = tpu.memref_slice %arg5[%add3A_1271, %dma_start3A_1274] : memref<50176x64xf32, #tpu.memory_space<hbm>> -> memref<96x64xf32, #tpu.memory_space<hbm>>
    tpu.enqueue_dma source(%arg6 : memref<96x64xf32, #tpu.memory_space<vmem>>) target(%dma_start3A_1275 : memref<96x64xf32, #tpu.memory_space<hbm>>) target_semaphore(%arg10 : memref<!tpu.dma_semaphore, #tpu.memory_space<semaphore_mem>>)
    %dma_wait3A = arith.constant 0 : i32
    %dma_wait3A_1276 = tpu.memref_slice %arg5[%add3A_1152, %dma_wait3A] : memref<50176x64xf32, #tpu.memory_space<hbm>> -> memref<96x64xf32, #tpu.memory_space<hbm>>
    %dma_wait3A_1277 = arith.constant 0 : i32
    %dma_wait3A_1278 = tpu.memref_slice %arg5[%add3A_1152, %dma_wait3A_1277] : memref<50176x64xf32, #tpu.memory_space<hbm>> -> memref<96x64xf32, #tpu.memory_space<hbm>>
    tpu.wait_dma2 semaphore(%arg10 : memref<!tpu.dma_semaphore, #tpu.memory_space<semaphore_mem>>) src(%arg6 : memref<96x64xf32, #tpu.memory_space<vmem>>) dst(%dma_wait3A_1278 : memref<96x64xf32, #tpu.memory_space<hbm>>)
    %dma_wait3A_1279 = arith.constant 0 : i32
    %dma_wait3A_1280 = tpu.memref_slice %arg5[%add3A_1159, %dma_wait3A_1279] : memref<50176x64xf32, #tpu.memory_space<hbm>> -> memref<96x64xf32, #tpu.memory_space<hbm>>
    %dma_wait3A_1281 = arith.constant 0 : i32
    %dma_wait3A_1282 = tpu.memref_slice %arg5[%add3A_1159, %dma_wait3A_1281] : memref<50176x64xf32, #tpu.memory_space<hbm>> -> memref<96x64xf32, #tpu.memory_space<hbm>>
    tpu.wait_dma2 semaphore(%arg10 : memref<!tpu.dma_semaphore, #tpu.memory_space<semaphore_mem>>) src(%arg6 : memref<96x64xf32, #tpu.memory_space<vmem>>) dst(%dma_wait3A_1282 : memref<96x64xf32, #tpu.memory_space<hbm>>)
    %dma_wait3A_1283 = arith.constant 0 : i32
    %dma_wait3A_1284 = tpu.memref_slice %arg5[%add3A_1167, %dma_wait3A_1283] : memref<50176x64xf32, #tpu.memory_space<hbm>> -> memref<96x64xf32, #tpu.memory_space<hbm>>
    %dma_wait3A_1285 = arith.constant 0 : i32
    %dma_wait3A_1286 = tpu.memref_slice %arg5[%add3A_1167, %dma_wait3A_1285] : memref<50176x64xf32, #tpu.memory_space<hbm>> -> memref<96x64xf32, #tpu.memory_space<hbm>>
    tpu.wait_dma2 semaphore(%arg10 : memref<!tpu.dma_semaphore, #tpu.memory_space<semaphore_mem>>) src(%arg6 : memref<96x64xf32, #tpu.memory_space<vmem>>) dst(%dma_wait3A_1286 : memref<96x64xf32, #tpu.memory_space<hbm>>)
    %dma_wait3A_1287 = arith.constant 0 : i32
    %dma_wait3A_1288 = tpu.memref_slice %arg5[%add3A_1175, %dma_wait3A_1287] : memref<50176x64xf32, #tpu.memory_space<hbm>> -> memref<96x64xf32, #tpu.memory_space<hbm>>
    %dma_wait3A_1289 = arith.constant 0 : i32
    %dma_wait3A_1290 = tpu.memref_slice %arg5[%add3A_1175, %dma_wait3A_1289] : memref<50176x64xf32, #tpu.memory_space<hbm>> -> memref<96x64xf32, #tpu.memory_space<hbm>>
    tpu.wait_dma2 semaphore(%arg10 : memref<!tpu.dma_semaphore, #tpu.memory_space<semaphore_mem>>) src(%arg6 : memref<96x64xf32, #tpu.memory_space<vmem>>) dst(%dma_wait3A_1290 : memref<96x64xf32, #tpu.memory_space<hbm>>)
    %dma_wait3A_1291 = arith.constant 0 : i32
    %dma_wait3A_1292 = tpu.memref_slice %arg5[%add3A_1183, %dma_wait3A_1291] : memref<50176x64xf32, #tpu.memory_space<hbm>> -> memref<96x64xf32, #tpu.memory_space<hbm>>
    %dma_wait3A_1293 = arith.constant 0 : i32
    %dma_wait3A_1294 = tpu.memref_slice %arg5[%add3A_1183, %dma_wait3A_1293] : memref<50176x64xf32, #tpu.memory_space<hbm>> -> memref<96x64xf32, #tpu.memory_space<hbm>>
    tpu.wait_dma2 semaphore(%arg10 : memref<!tpu.dma_semaphore, #tpu.memory_space<semaphore_mem>>) src(%arg6 : memref<96x64xf32, #tpu.memory_space<vmem>>) dst(%dma_wait3A_1294 : memref<96x64xf32, #tpu.memory_space<hbm>>)
    %dma_wait3A_1295 = arith.constant 0 : i32
    %dma_wait3A_1296 = tpu.memref_slice %arg5[%add3A_1191, %dma_wait3A_1295] : memref<50176x64xf32, #tpu.memory_space<hbm>> -> memref<96x64xf32, #tpu.memory_space<hbm>>
    %dma_wait3A_1297 = arith.constant 0 : i32
    %dma_wait3A_1298 = tpu.memref_slice %arg5[%add3A_1191, %dma_wait3A_1297] : memref<50176x64xf32, #tpu.memory_space<hbm>> -> memref<96x64xf32, #tpu.memory_space<hbm>>
    tpu.wait_dma2 semaphore(%arg10 : memref<!tpu.dma_semaphore, #tpu.memory_space<semaphore_mem>>) src(%arg6 : memref<96x64xf32, #tpu.memory_space<vmem>>) dst(%dma_wait3A_1298 : memref<96x64xf32, #tpu.memory_space<hbm>>)
    %dma_wait3A_1299 = arith.constant 0 : i32
    %dma_wait3A_1300 = tpu.memref_slice %arg5[%add3A_1199, %dma_wait3A_1299] : memref<50176x64xf32, #tpu.memory_space<hbm>> -> memref<96x64xf32, #tpu.memory_space<hbm>>
    %dma_wait3A_1301 = arith.constant 0 : i32
    %dma_wait3A_1302 = tpu.memref_slice %arg5[%add3A_1199, %dma_wait3A_1301] : memref<50176x64xf32, #tpu.memory_space<hbm>> -> memref<96x64xf32, #tpu.memory_space<hbm>>
    tpu.wait_dma2 semaphore(%arg10 : memref<!tpu.dma_semaphore, #tpu.memory_space<semaphore_mem>>) src(%arg6 : memref<96x64xf32, #tpu.memory_space<vmem>>) dst(%dma_wait3A_1302 : memref<96x64xf32, #tpu.memory_space<hbm>>)
    %dma_wait3A_1303 = arith.constant 0 : i32
    %dma_wait3A_1304 = tpu.memref_slice %arg5[%add3A_1207, %dma_wait3A_1303] : memref<50176x64xf32, #tpu.memory_space<hbm>> -> memref<96x64xf32, #tpu.memory_space<hbm>>
    %dma_wait3A_1305 = arith.constant 0 : i32
    %dma_wait3A_1306 = tpu.memref_slice %arg5[%add3A_1207, %dma_wait3A_1305] : memref<50176x64xf32, #tpu.memory_space<hbm>> -> memref<96x64xf32, #tpu.memory_space<hbm>>
    tpu.wait_dma2 semaphore(%arg10 : memref<!tpu.dma_semaphore, #tpu.memory_space<semaphore_mem>>) src(%arg6 : memref<96x64xf32, #tpu.memory_space<vmem>>) dst(%dma_wait3A_1306 : memref<96x64xf32, #tpu.memory_space<hbm>>)
    %dma_wait3A_1307 = arith.constant 0 : i32
    %dma_wait3A_1308 = tpu.memref_slice %arg5[%add3A_1215, %dma_wait3A_1307] : memref<50176x64xf32, #tpu.memory_space<hbm>> -> memref<96x64xf32, #tpu.memory_space<hbm>>
    %dma_wait3A_1309 = arith.constant 0 : i32
    %dma_wait3A_1310 = tpu.memref_slice %arg5[%add3A_1215, %dma_wait3A_1309] : memref<50176x64xf32, #tpu.memory_space<hbm>> -> memref<96x64xf32, #tpu.memory_space<hbm>>
    tpu.wait_dma2 semaphore(%arg10 : memref<!tpu.dma_semaphore, #tpu.memory_space<semaphore_mem>>) src(%arg6 : memref<96x64xf32, #tpu.memory_space<vmem>>) dst(%dma_wait3A_1310 : memref<96x64xf32, #tpu.memory_space<hbm>>)
    %dma_wait3A_1311 = arith.constant 0 : i32
    %dma_wait3A_1312 = tpu.memref_slice %arg5[%add3A_1223, %dma_wait3A_1311] : memref<50176x64xf32, #tpu.memory_space<hbm>> -> memref<96x64xf32, #tpu.memory_space<hbm>>
    %dma_wait3A_1313 = arith.constant 0 : i32
    %dma_wait3A_1314 = tpu.memref_slice %arg5[%add3A_1223, %dma_wait3A_1313] : memref<50176x64xf32, #tpu.memory_space<hbm>> -> memref<96x64xf32, #tpu.memory_space<hbm>>
    tpu.wait_dma2 semaphore(%arg10 : memref<!tpu.dma_semaphore, #tpu.memory_space<semaphore_mem>>) src(%arg6 : memref<96x64xf32, #tpu.memory_space<vmem>>) dst(%dma_wait3A_1314 : memref<96x64xf32, #tpu.memory_space<hbm>>)
    %dma_wait3A_1315 = arith.constant 0 : i32
    %dma_wait3A_1316 = tpu.memref_slice %arg5[%add3A_1231, %dma_wait3A_1315] : memref<50176x64xf32, #tpu.memory_space<hbm>> -> memref<96x64xf32, #tpu.memory_space<hbm>>
    %dma_wait3A_1317 = arith.constant 0 : i32
    %dma_wait3A_1318 = tpu.memref_slice %arg5[%add3A_1231, %dma_wait3A_1317] : memref<50176x64xf32, #tpu.memory_space<hbm>> -> memref<96x64xf32, #tpu.memory_space<hbm>>
    tpu.wait_dma2 semaphore(%arg10 : memref<!tpu.dma_semaphore, #tpu.memory_space<semaphore_mem>>) src(%arg6 : memref<96x64xf32, #tpu.memory_space<vmem>>) dst(%dma_wait3A_1318 : memref<96x64xf32, #tpu.memory_space<hbm>>)
    %dma_wait3A_1319 = arith.constant 0 : i32
    %dma_wait3A_1320 = tpu.memref_slice %arg5[%add3A_1239, %dma_wait3A_1319] : memref<50176x64xf32, #tpu.memory_space<hbm>> -> memref<96x64xf32, #tpu.memory_space<hbm>>
    %dma_wait3A_1321 = arith.constant 0 : i32
    %dma_wait3A_1322 = tpu.memref_slice %arg5[%add3A_1239, %dma_wait3A_1321] : memref<50176x64xf32, #tpu.memory_space<hbm>> -> memref<96x64xf32, #tpu.memory_space<hbm>>
    tpu.wait_dma2 semaphore(%arg10 : memref<!tpu.dma_semaphore, #tpu.memory_space<semaphore_mem>>) src(%arg6 : memref<96x64xf32, #tpu.memory_space<vmem>>) dst(%dma_wait3A_1322 : memref<96x64xf32, #tpu.memory_space<hbm>>)
    %dma_wait3A_1323 = arith.constant 0 : i32
    %dma_wait3A_1324 = tpu.memref_slice %arg5[%add3A_1247, %dma_wait3A_1323] : memref<50176x64xf32, #tpu.memory_space<hbm>> -> memref<96x64xf32, #tpu.memory_space<hbm>>
    %dma_wait3A_1325 = arith.constant 0 : i32
    %dma_wait3A_1326 = tpu.memref_slice %arg5[%add3A_1247, %dma_wait3A_1325] : memref<50176x64xf32, #tpu.memory_space<hbm>> -> memref<96x64xf32, #tpu.memory_space<hbm>>
    tpu.wait_dma2 semaphore(%arg10 : memref<!tpu.dma_semaphore, #tpu.memory_space<semaphore_mem>>) src(%arg6 : memref<96x64xf32, #tpu.memory_space<vmem>>) dst(%dma_wait3A_1326 : memref<96x64xf32, #tpu.memory_space<hbm>>)
    %dma_wait3A_1327 = arith.constant 0 : i32
    %dma_wait3A_1328 = tpu.memref_slice %arg5[%add3A_1255, %dma_wait3A_1327] : memref<50176x64xf32, #tpu.memory_space<hbm>> -> memref<96x64xf32, #tpu.memory_space<hbm>>
    %dma_wait3A_1329 = arith.constant 0 : i32
    %dma_wait3A_1330 = tpu.memref_slice %arg5[%add3A_1255, %dma_wait3A_1329] : memref<50176x64xf32, #tpu.memory_space<hbm>> -> memref<96x64xf32, #tpu.memory_space<hbm>>
    tpu.wait_dma2 semaphore(%arg10 : memref<!tpu.dma_semaphore, #tpu.memory_space<semaphore_mem>>) src(%arg6 : memref<96x64xf32, #tpu.memory_space<vmem>>) dst(%dma_wait3A_1330 : memref<96x64xf32, #tpu.memory_space<hbm>>)
    %dma_wait3A_1331 = arith.constant 0 : i32
    %dma_wait3A_1332 = tpu.memref_slice %arg5[%add3A_1263, %dma_wait3A_1331] : memref<50176x64xf32, #tpu.memory_space<hbm>> -> memref<96x64xf32, #tpu.memory_space<hbm>>
    %dma_wait3A_1333 = arith.constant 0 : i32
    %dma_wait3A_1334 = tpu.memref_slice %arg5[%add3A_1263, %dma_wait3A_1333] : memref<50176x64xf32, #tpu.memory_space<hbm>> -> memref<96x64xf32, #tpu.memory_space<hbm>>
    tpu.wait_dma2 semaphore(%arg10 : memref<!tpu.dma_semaphore, #tpu.memory_space<semaphore_mem>>) src(%arg6 : memref<96x64xf32, #tpu.memory_space<vmem>>) dst(%dma_wait3A_1334 : memref<96x64xf32, #tpu.memory_space<hbm>>)
    %dma_wait3A_1335 = arith.constant 0 : i32
    %dma_wait3A_1336 = tpu.memref_slice %arg5[%add3A_1271, %dma_wait3A_1335] : memref<50176x64xf32, #tpu.memory_space<hbm>> -> memref<96x64xf32, #tpu.memory_space<hbm>>
    %dma_wait3A_1337 = arith.constant 0 : i32
    %dma_wait3A_1338 = tpu.memref_slice %arg5[%add3A_1271, %dma_wait3A_1337] : memref<50176x64xf32, #tpu.memory_space<hbm>> -> memref<96x64xf32, #tpu.memory_space<hbm>>
    tpu.wait_dma2 semaphore(%arg10 : memref<!tpu.dma_semaphore, #tpu.memory_space<semaphore_mem>>) src(%arg6 : memref<96x64xf32, #tpu.memory_space<vmem>>) dst(%dma_wait3A_1338 : memref<96x64xf32, #tpu.memory_space<hbm>>)
    %dma_start3A_1339 = arith.constant 0 : i32
    %dma_start3A_1340 = arith.constant 0 : i32
    %dma_start3A_1341 = tpu.memref_slice %arg5[%dma_start3A_1339, %dma_start3A_1340] : memref<50176x64xf32, #tpu.memory_space<hbm>> -> memref<50176x64xf32, #tpu.memory_space<hbm>>
    tpu.enqueue_indirect_dma source(%arg9 : memref<1024x64xf32, #tpu.memory_space<vmem>>) target(%dma_start3A_1341 : memref<50176x64xf32, #tpu.memory_space<hbm>>) offsets(%arg8 : memref<1024xi32, #tpu.memory_space<vmem>>) semaphore(%arg11 : memref<!tpu.dma_semaphore, #tpu.memory_space<semaphore_mem>>)
    %dma_wait3A_1342 = arith.constant 0 : i32
    %dma_wait3A_1343 = arith.constant 0 : i32
    %dma_wait3A_1344 = tpu.memref_slice %arg5[%dma_wait3A_1342, %dma_wait3A_1343] : memref<50176x64xf32, #tpu.memory_space<hbm>> -> memref<50176x64xf32, #tpu.memory_space<hbm>>
    tpu.wait_indirect_dma semaphore(%arg11 : memref<!tpu.dma_semaphore, #tpu.memory_space<semaphore_mem>>) src(%arg9 : memref<1024x64xf32, #tpu.memory_space<vmem>>) dst(%dma_wait3A_1344 : memref<50176x64xf32, #tpu.memory_space<hbm>>)
    return
  }
}

module attributes {stable_mosaic.version = 14 : i64} {
  func.func @_m_body(%arg0: i32, %arg1: i32, %arg2: memref<1x512x64xf32, #tpu.memory_space<vmem>>, %arg3: memref<1x4096x64xf32, #tpu.memory_space<vmem>>, %arg4: memref<4096x4096xi8, #tpu.memory_space<vmem>>, %arg5: memref<1x1x512xf32, #tpu.memory_space<vmem>>) attributes {dimension_semantics = [#tpu.dimension_semantics<arbitrary>, #tpu.dimension_semantics<arbitrary>], iteration_bounds = array<i64: 12, 8>, scalar_prefetch = 0 : i64, scratch_operands = 0 : i64, tpu.core_type = #tpu.core_type<tc>, window_params = [{transform_indices = @transform_0, window_bounds = array<i64: 1, 512, 64>}, {transform_indices = @transform_1, window_bounds = array<i64: 1, 4096, 64>}, {pipeline_mode = #tpu.pipeline_mode<synchronous>, transform_indices = @transform_2, window_bounds = array<i64: 4096, 4096>}, {transform_indices = @transform_3, window_bounds = array<i64: 1, 1, 512>}]} {
    %get3A = arith.constant 0 : index
    %get3A_0 = arith.constant 0 : index
    %get3A_1 = arith.constant 0 : index
    %get3A_2 = vector.load %arg2[%get3A, %get3A_0, %get3A_1] : memref<1x512x64xf32, #tpu.memory_space<vmem>>, vector<1x512x64xf32>
    %get3A_3 = vector.shape_cast %get3A_2 : vector<1x512x64xf32> to vector<512x64xf32>
    %get3A_4 = arith.constant 0 : index
    %get3A_5 = arith.constant 0 : index
    %get3A_6 = arith.constant 0 : index
    %get3A_7 = vector.load %arg3[%get3A_4, %get3A_5, %get3A_6] : memref<1x4096x64xf32, #tpu.memory_space<vmem>>, vector<1x1024x64xf32>
    %get3A_8 = vector.shape_cast %get3A_7 : vector<1x1024x64xf32> to vector<1024x64xf32>
    %dot_general3A = arith.constant dense<0.000000e+00> : vector<512x1024xf32>
    %dot_general3A_9 = tpu.matmul %get3A_3, %get3A_8, %dot_general3A {dimension_numbers = #tpu.dot_dimension_numbers<[1], [1], [0], [0], [0, 0, 1, 0], [], []>, precision = #tpu.contract_precision<fp32>, transpose_lhs_hint = false} : vector<512x64xf32>, vector<1024x64xf32>, vector<512x1024xf32> -> vector<512x1024xf32>
    %mul3A = arith.constant 512 : i32
    %mul3A_10 = arith.muli %arg1, %mul3A : i32
    %get3A_11 = arith.index_cast %mul3A_10 : i32 to index
    %get3A_12 = arith.constant 0 : index
    %get3A_13 = vector.load %arg4[%get3A_11, %get3A_12] : memref<4096x4096xi8, #tpu.memory_space<vmem>>, vector<512x1024xi8>
    %convert_element_type3A = arith.uitofp %get3A_13 : vector<512x1024xi8> to vector<512x1024xf32>
    %gt3A = arith.constant 0.000000e+00 : f32
    %gt3A_14 = vector.broadcast %gt3A : f32 to vector<512x1024xf32>
    %gt3A_15 = arith.cmpf ogt, %convert_element_type3A, %gt3A_14 : vector<512x1024xf32>
    %jit3A = arith.constant 0xFF800000 : f32
    %broadcast_in_dim3A = vector.broadcast %jit3A : f32 to vector<512x1024xf32>
    %select_n3A = arith.select %gt3A_15, %dot_general3A_9, %broadcast_in_dim3A : vector<512x1024xi1>, vector<512x1024xf32>
    %reduce_max3A = arith.constant dense<0xFF800000> : vector<512xf32>
    %reduce_max3A_16 = vector.multi_reduction <maximumf>, %select_n3A, %reduce_max3A [1] : vector<512x1024xf32> to vector<512xf32>
    %mul3A_17 = arith.mulf %dot_general3A_9, %convert_element_type3A : vector<512x1024xf32>
    %reduce_sum3A = arith.constant dense<0.000000e+00> : vector<512xf32>
    %reduce_sum3A_18 = vector.multi_reduction <add>, %mul3A_17, %reduce_sum3A [1] : vector<512x1024xf32> to vector<512xf32>
    %get3A_19 = arith.constant 0 : index
    %get3A_20 = arith.constant 1024 : index
    %get3A_21 = arith.constant 0 : index
    %get3A_22 = vector.load %arg3[%get3A_19, %get3A_20, %get3A_21] : memref<1x4096x64xf32, #tpu.memory_space<vmem>>, vector<1x1024x64xf32>
    %get3A_23 = vector.shape_cast %get3A_22 : vector<1x1024x64xf32> to vector<1024x64xf32>
    %dot_general3A_24 = arith.constant dense<0.000000e+00> : vector<512x1024xf32>
    %dot_general3A_25 = tpu.matmul %get3A_3, %get3A_23, %dot_general3A_24 {dimension_numbers = #tpu.dot_dimension_numbers<[1], [1], [0], [0], [0, 0, 1, 0], [], []>, precision = #tpu.contract_precision<fp32>, transpose_lhs_hint = false} : vector<512x64xf32>, vector<1024x64xf32>, vector<512x1024xf32> -> vector<512x1024xf32>
    %mul3A_26 = arith.constant 512 : i32
    %mul3A_27 = arith.muli %arg1, %mul3A_26 : i32
    %get3A_28 = arith.index_cast %mul3A_27 : i32 to index
    %get3A_29 = arith.constant 1024 : index
    %get3A_30 = vector.load %arg4[%get3A_28, %get3A_29] : memref<4096x4096xi8, #tpu.memory_space<vmem>>, vector<512x1024xi8>
    %convert_element_type3A_31 = arith.uitofp %get3A_30 : vector<512x1024xi8> to vector<512x1024xf32>
    %gt3A_32 = arith.constant 0.000000e+00 : f32
    %gt3A_33 = vector.broadcast %gt3A_32 : f32 to vector<512x1024xf32>
    %gt3A_34 = arith.cmpf ogt, %convert_element_type3A_31, %gt3A_33 : vector<512x1024xf32>
    %jit3A_35 = arith.constant 0xFF800000 : f32
    %broadcast_in_dim3A_36 = vector.broadcast %jit3A_35 : f32 to vector<512x1024xf32>
    %select_n3A_37 = arith.select %gt3A_34, %dot_general3A_25, %broadcast_in_dim3A_36 : vector<512x1024xi1>, vector<512x1024xf32>
    %reduce_max3A_38 = arith.constant dense<0xFF800000> : vector<512xf32>
    %reduce_max3A_39 = vector.multi_reduction <maximumf>, %select_n3A_37, %reduce_max3A_38 [1] : vector<512x1024xf32> to vector<512xf32>
    %mul3A_40 = arith.mulf %dot_general3A_25, %convert_element_type3A_31 : vector<512x1024xf32>
    %reduce_sum3A_41 = arith.constant dense<0.000000e+00> : vector<512xf32>
    %reduce_sum3A_42 = vector.multi_reduction <add>, %mul3A_40, %reduce_sum3A_41 [1] : vector<512x1024xf32> to vector<512xf32>
    %max3A = arith.maximumf %reduce_max3A_16, %reduce_max3A_39 : vector<512xf32>
    %add3A = arith.addf %reduce_sum3A_18, %reduce_sum3A_42 : vector<512xf32>
    %get3A_43 = arith.constant 0 : index
    %get3A_44 = arith.constant 2048 : index
    %get3A_45 = arith.constant 0 : index
    %get3A_46 = vector.load %arg3[%get3A_43, %get3A_44, %get3A_45] : memref<1x4096x64xf32, #tpu.memory_space<vmem>>, vector<1x1024x64xf32>
    %get3A_47 = vector.shape_cast %get3A_46 : vector<1x1024x64xf32> to vector<1024x64xf32>
    %dot_general3A_48 = arith.constant dense<0.000000e+00> : vector<512x1024xf32>
    %dot_general3A_49 = tpu.matmul %get3A_3, %get3A_47, %dot_general3A_48 {dimension_numbers = #tpu.dot_dimension_numbers<[1], [1], [0], [0], [0, 0, 1, 0], [], []>, precision = #tpu.contract_precision<fp32>, transpose_lhs_hint = false} : vector<512x64xf32>, vector<1024x64xf32>, vector<512x1024xf32> -> vector<512x1024xf32>
    %mul3A_50 = arith.constant 512 : i32
    %mul3A_51 = arith.muli %arg1, %mul3A_50 : i32
    %get3A_52 = arith.index_cast %mul3A_51 : i32 to index
    %get3A_53 = arith.constant 2048 : index
    %get3A_54 = vector.load %arg4[%get3A_52, %get3A_53] : memref<4096x4096xi8, #tpu.memory_space<vmem>>, vector<512x1024xi8>
    %convert_element_type3A_55 = arith.uitofp %get3A_54 : vector<512x1024xi8> to vector<512x1024xf32>
    %gt3A_56 = arith.constant 0.000000e+00 : f32
    %gt3A_57 = vector.broadcast %gt3A_56 : f32 to vector<512x1024xf32>
    %gt3A_58 = arith.cmpf ogt, %convert_element_type3A_55, %gt3A_57 : vector<512x1024xf32>
    %jit3A_59 = arith.constant 0xFF800000 : f32
    %broadcast_in_dim3A_60 = vector.broadcast %jit3A_59 : f32 to vector<512x1024xf32>
    %select_n3A_61 = arith.select %gt3A_58, %dot_general3A_49, %broadcast_in_dim3A_60 : vector<512x1024xi1>, vector<512x1024xf32>
    %reduce_max3A_62 = arith.constant dense<0xFF800000> : vector<512xf32>
    %reduce_max3A_63 = vector.multi_reduction <maximumf>, %select_n3A_61, %reduce_max3A_62 [1] : vector<512x1024xf32> to vector<512xf32>
    %mul3A_64 = arith.mulf %dot_general3A_49, %convert_element_type3A_55 : vector<512x1024xf32>
    %reduce_sum3A_65 = arith.constant dense<0.000000e+00> : vector<512xf32>
    %reduce_sum3A_66 = vector.multi_reduction <add>, %mul3A_64, %reduce_sum3A_65 [1] : vector<512x1024xf32> to vector<512xf32>
    %max3A_67 = arith.maximumf %max3A, %reduce_max3A_63 : vector<512xf32>
    %add3A_68 = arith.addf %add3A, %reduce_sum3A_66 : vector<512xf32>
    %get3A_69 = arith.constant 0 : index
    %get3A_70 = arith.constant 3072 : index
    %get3A_71 = arith.constant 0 : index
    %get3A_72 = vector.load %arg3[%get3A_69, %get3A_70, %get3A_71] : memref<1x4096x64xf32, #tpu.memory_space<vmem>>, vector<1x1024x64xf32>
    %get3A_73 = vector.shape_cast %get3A_72 : vector<1x1024x64xf32> to vector<1024x64xf32>
    %dot_general3A_74 = arith.constant dense<0.000000e+00> : vector<512x1024xf32>
    %dot_general3A_75 = tpu.matmul %get3A_3, %get3A_73, %dot_general3A_74 {dimension_numbers = #tpu.dot_dimension_numbers<[1], [1], [0], [0], [0, 0, 1, 0], [], []>, precision = #tpu.contract_precision<fp32>, transpose_lhs_hint = false} : vector<512x64xf32>, vector<1024x64xf32>, vector<512x1024xf32> -> vector<512x1024xf32>
    %mul3A_76 = arith.constant 512 : i32
    %mul3A_77 = arith.muli %arg1, %mul3A_76 : i32
    %get3A_78 = arith.index_cast %mul3A_77 : i32 to index
    %get3A_79 = arith.constant 3072 : index
    %get3A_80 = vector.load %arg4[%get3A_78, %get3A_79] : memref<4096x4096xi8, #tpu.memory_space<vmem>>, vector<512x1024xi8>
    %convert_element_type3A_81 = arith.uitofp %get3A_80 : vector<512x1024xi8> to vector<512x1024xf32>
    %gt3A_82 = arith.constant 0.000000e+00 : f32
    %gt3A_83 = vector.broadcast %gt3A_82 : f32 to vector<512x1024xf32>
    %gt3A_84 = arith.cmpf ogt, %convert_element_type3A_81, %gt3A_83 : vector<512x1024xf32>
    %jit3A_85 = arith.constant 0xFF800000 : f32
    %broadcast_in_dim3A_86 = vector.broadcast %jit3A_85 : f32 to vector<512x1024xf32>
    %select_n3A_87 = arith.select %gt3A_84, %dot_general3A_75, %broadcast_in_dim3A_86 : vector<512x1024xi1>, vector<512x1024xf32>
    %reduce_max3A_88 = arith.constant dense<0xFF800000> : vector<512xf32>
    %reduce_max3A_89 = vector.multi_reduction <maximumf>, %select_n3A_87, %reduce_max3A_88 [1] : vector<512x1024xf32> to vector<512xf32>
    %mul3A_90 = arith.mulf %dot_general3A_75, %convert_element_type3A_81 : vector<512x1024xf32>
    %reduce_sum3A_91 = arith.constant dense<0.000000e+00> : vector<512xf32>
    %reduce_sum3A_92 = vector.multi_reduction <add>, %mul3A_90, %reduce_sum3A_91 [1] : vector<512x1024xf32> to vector<512xf32>
    %max3A_93 = arith.maximumf %max3A_67, %reduce_max3A_89 : vector<512xf32>
    %add3A_94 = arith.addf %add3A_68, %reduce_sum3A_92 : vector<512xf32>
    %mul3A_95 = arith.constant 2.44140625E-4 : f32
    %mul3A_96 = vector.broadcast %mul3A_95 : f32 to vector<512xf32>
    %mul3A_97 = arith.mulf %add3A_94, %mul3A_96 : vector<512xf32>
    %sub3A = arith.subf %max3A_93, %mul3A_97 : vector<512xf32>
    %swap3A = arith.constant 0 : index
    %swap3A_98 = arith.constant 0 : index
    %swap3A_99 = arith.constant 0 : index
    %swap3A_100 = vector.load %arg5[%swap3A, %swap3A_98, %swap3A_99] : memref<1x1x512xf32, #tpu.memory_space<vmem>>, vector<1x1x512xf32>
    %swap3A_101 = vector.shape_cast %swap3A_100 : vector<1x1x512xf32> to vector<512xf32>
    %swap3A_102 = vector.shape_cast %sub3A : vector<512xf32> to vector<1x1x512xf32>
    tpu.vector_store %arg5[%swap3A, %swap3A_98, %swap3A_99], %swap3A_102 {strides = array<i32>} : memref<1x1x512xf32, #tpu.memory_space<vmem>>, vector<1x1x512xf32>,
    return
  }
  func.func @transform_0(%arg0: i32, %arg1: i32) -> (i32, i32, i32) {
    %c0_i32 = arith.constant 0 : i32
    %c0_i32_0 = arith.constant 0 : i32
    return %arg0, %arg1, %c0_i32 : i32, i32, i32
  }
  func.func @transform_1(%arg0: i32, %arg1: i32) -> (i32, i32, i32) {
    %c0_i32 = arith.constant 0 : i32
    %c0_i32_0 = arith.constant 0 : i32
    %c0_i32_1 = arith.constant 0 : i32
    return %arg0, %c0_i32, %c0_i32_0 : i32, i32, i32
  }
  func.func @transform_2(%arg0: i32, %arg1: i32) -> (i32, i32) {
    %c0_i32 = arith.constant 0 : i32
    %c0_i32_0 = arith.constant 0 : i32
    %c0_i32_1 = arith.constant 0 : i32
    return %c0_i32, %c0_i32_0 : i32, i32
  }
  func.func @transform_3(%arg0: i32, %arg1: i32) -> (i32, i32, i32) {
    %mul3A = arith.constant 8 : i32
    %mul3A_0 = arith.muli %arg0, %mul3A : i32
    %add3A = arith.addi %mul3A_0, %arg1 : i32
    %c0_i32 = arith.constant 0 : i32
    %c0_i32_1 = arith.constant 0 : i32
    %c0_i32_2 = arith.constant 0 : i32
    return %add3A, %c0_i32, %c0_i32_1 : i32, i32, i32
  }
}

module attributes {stable_mosaic.version = 14 : i64} {
  func.func @_sel_body(%arg0: i32, %arg1: memref<12x4096xf32, #tpu.memory_space<vmem>>, %arg2: memref<1x4096x64xf32, #tpu.memory_space<vmem>>, %arg3: memref<1x4096x64xf32, #tpu.memory_space<vmem>>, %arg4: memref<1x4096x64xf32, #tpu.memory_space<vmem>>, %arg5: memref<1x48x64xf32, #tpu.memory_space<vmem>>, %arg6: memref<1x1x48xi32, #tpu.memory_space<vmem>>, %arg7: memref<1x1x8x64xf32, #tpu.memory_space<vmem>>, %arg8: memref<1x4096xf32, #tpu.memory_space<vmem>>, %arg9: memref<48x64xf32, #tpu.memory_space<vmem>>) attributes {dimension_semantics = [#tpu.dimension_semantics<arbitrary>], iteration_bounds = array<i64: 12>, scalar_prefetch = 0 : i64, scratch_operands = 2 : i64, tpu.core_type = #tpu.core_type<tc>, window_params = [{pipeline_mode = #tpu.pipeline_mode<synchronous>, transform_indices = @transform_0, window_bounds = array<i64: 12, 4096>}, {transform_indices = @transform_1, window_bounds = array<i64: 1, 4096, 64>}, {transform_indices = @transform_2, window_bounds = array<i64: 1, 4096, 64>}, {transform_indices = @transform_3, window_bounds = array<i64: 1, 4096, 64>}, {transform_indices = @transform_4, window_bounds = array<i64: 1, 48, 64>}, {transform_indices = @transform_5, window_bounds = array<i64: 1, 1, 48>}, {transform_indices = @transform_6, window_bounds = array<i64: 1, 1, 8, 64>}]} {
    %get3A = arith.index_cast %arg0 : i32 to index
    %get3A_0 = arith.constant 0 : index
    %get3A_1 = vector.load %arg1[%get3A, %get3A_0] : memref<12x4096xf32, #tpu.memory_space<vmem>>, vector<1x4096xf32>
    %swap3A = arith.constant 0 : index
    %swap3A_2 = arith.constant 0 : index
    %swap3A_3 = vector.load %arg8[%swap3A, %swap3A_2] : memref<1x4096xf32, #tpu.memory_space<vmem>>, vector<1x4096xf32>
    tpu.vector_store %arg8[%swap3A, %swap3A_2], %get3A_1 {strides = array<i32>} : memref<1x4096xf32, #tpu.memory_space<vmem>>, vector<1x4096xf32>,
    %broadcast_in_dim3A = arith.constant 0.000000e+00 : f32
    %broadcast_in_dim3A_4 = vector.broadcast %broadcast_in_dim3A : f32 to vector<48x64xf32>
    %swap3A_5 = arith.constant 0 : index
    %swap3A_6 = arith.constant 0 : index
    %swap3A_7 = vector.load %arg9[%swap3A_5, %swap3A_6] : memref<48x64xf32, #tpu.memory_space<vmem>>, vector<48x64xf32>
    tpu.vector_store %arg9[%swap3A_5, %swap3A_6], %broadcast_in_dim3A_4 {strides = array<i32>} : memref<48x64xf32, #tpu.memory_space<vmem>>, vector<48x64xf32>,
    %iota3A = tpu.iota {dimensions = array<i32: 1>} : vector<1x4096xi32>
    %iota3A_8 = tpu.iota {dimensions = array<i32: 1>} : vector<1x48xi32>
    %broadcast_in_dim3A_9 = arith.constant 49152 : i32
    %broadcast_in_dim3A_10 = vector.broadcast %broadcast_in_dim3A_9 : i32 to vector<1x48xi32>
    %scan3A = arith.constant 0 : i32
    %scan3A_11 = arith.constant 45 : i32
    %scan3A_12 = arith.addi %scan3A, %scan3A_11 : i32
    %scan3A_13 = arith.constant 1 : i32
    %scan3A_14 = scf.for %scan3A_70 = %scan3A to %scan3A_12 step %scan3A_13 iter_args(%scan3A_71 = %broadcast_in_dim3A_10) -> (vector<1x48xi32>)  : i32 {
      %get3A_72 = arith.constant 0 : index
      %get3A_73 = arith.constant 0 : index
      %get3A_74 = vector.load %arg8[%get3A_72, %get3A_73] : memref<1x4096xf32, #tpu.memory_space<vmem>>, vector<1x4096xf32>
      %reduce_max3A_75 = vector.shape_cast %get3A_74 : vector<1x4096xf32> to vector<1x1x4096xf32>
      %reduce_max3A_76 = arith.constant dense<0xFF800000> : vector<1xf32>
      %reduce_max3A_77 = vector.multi_reduction <maximumf>, %reduce_max3A_75, %reduce_max3A_76 [1, 2] : vector<1x1x4096xf32> to vector<1xf32>
      %reduce_max3A_78 = vector.shape_cast %reduce_max3A_77 : vector<1xf32> to vector<1x1x1xf32>
      %reduce_max3A_79 = vector.extract %reduce_max3A_78[0, 0, 0] : f32 from vector<1x1x1xf32>
      %eq3A = vector.broadcast %reduce_max3A_79 : f32 to vector<1x4096xf32>
      %eq3A_80 = arith.cmpf oeq, %get3A_74, %eq3A : vector<1x4096xf32>
      %jit3A = arith.constant 4096 : i32
      %broadcast_in_dim3A_81 = vector.broadcast %jit3A : i32 to vector<1x4096xi32>
      %select_n3A = arith.select %eq3A_80, %iota3A, %broadcast_in_dim3A_81 : vector<1x4096xi1>, vector<1x4096xi32>
      %reduce_min3A = vector.shape_cast %select_n3A : vector<1x4096xi32> to vector<1x1x4096xi32>
      %reduce_min3A_82 = arith.constant dense<2147483647> : vector<1xi32>
      %reduce_min3A_83 = vector.multi_reduction <minsi>, %reduce_min3A, %reduce_min3A_82 [1, 2] : vector<1x1x4096xi32> to vector<1xi32>
      %reduce_min3A_84 = vector.shape_cast %reduce_min3A_83 : vector<1xi32> to vector<1x1x1xi32>
      %reduce_min3A_85 = vector.extract %reduce_min3A_84[0, 0, 0] : i32 from vector<1x1x1xi32>
      %get3A_86 = arith.constant 0 : index
      %get3A_87 = arith.index_cast %reduce_min3A_85 : i32 to index
      %get3A_88 = arith.constant 0 : index
      %get3A_89 = vector.load %arg2[%get3A_86, %get3A_87, %get3A_88] : memref<1x4096x64xf32, #tpu.memory_space<vmem>>, vector<1x1x64xf32>
      %get3A_90 = vector.shape_cast %get3A_89 : vector<1x1x64xf32> to vector<1x64xf32>
      %swap3A_91 = arith.index_cast %scan3A_70 : i32 to index
      %swap3A_92 = arith.constant 0 : index
      %swap3A_93 = vector.load %arg9[%swap3A_91, %swap3A_92] : memref<48x64xf32, #tpu.memory_space<vmem>>, vector<1x64xf32>
      tpu.vector_store %arg9[%swap3A_91, %swap3A_92], %get3A_90 {strides = array<i32>} : memref<48x64xf32, #tpu.memory_space<vmem>>, vector<1x64xf32>,
      %eq3A_94 = vector.broadcast %reduce_min3A_85 : i32 to vector<1x4096xi32>
      %eq3A_95 = arith.cmpi eq, %iota3A, %eq3A_94 : vector<1x4096xi32>
      %jit3A_96 = arith.constant 0xFF800000 : f32
      %broadcast_in_dim3A_97 = vector.broadcast %jit3A_96 : f32 to vector<1x4096xf32>
      %select_n3A_98 = arith.select %eq3A_95, %broadcast_in_dim3A_97, %get3A_74 : vector<1x4096xi1>, vector<1x4096xf32>
      %swap3A_99 = arith.constant 0 : index
      %swap3A_100 = arith.constant 0 : index
      %swap3A_101 = vector.load %arg8[%swap3A_99, %swap3A_100] : memref<1x4096xf32, #tpu.memory_space<vmem>>, vector<1x4096xf32>
      tpu.vector_store %arg8[%swap3A_99, %swap3A_100], %select_n3A_98 {strides = array<i32>} : memref<1x4096xf32, #tpu.memory_space<vmem>>, vector<1x4096xf32>,
      %eq3A_102 = vector.broadcast %scan3A_70 : i32 to vector<1x48xi32>
      %eq3A_103 = arith.cmpi eq, %iota3A_8, %eq3A_102 : vector<1x48xi32>
      %mul3A_104 = arith.constant 12 : i32
      %mul3A_105 = arith.muli %reduce_min3A_85, %mul3A_104 : i32
      %add3A = arith.addi %mul3A_105, %arg0 : i32
      %broadcast_in_dim3A_106 = vector.broadcast %add3A : i32 to vector<1x48xi32>
      %select_n3A_107 = arith.select %eq3A_103, %broadcast_in_dim3A_106, %scan3A_71 : vector<1x48xi1>, vector<1x48xi32>
      scf.yield %select_n3A_107 : vector<1x48xi32>
    }
    %scan3A_15 = arith.constant 45 : i32
    %reshape3A = vector.shape_cast %scan3A_14 : vector<1x48xi32> to vector<1x1x48xi32>
    %swap3A_16 = arith.constant 0 : index
    %swap3A_17 = arith.constant 0 : index
    %swap3A_18 = arith.constant 0 : index
    %swap3A_19 = vector.load %arg6[%swap3A_16, %swap3A_17, %swap3A_18] : memref<1x1x48xi32, #tpu.memory_space<vmem>>, vector<1x1x48xi32>
    tpu.vector_store %arg6[%swap3A_16, %swap3A_17, %swap3A_18], %reshape3A {strides = array<i32>} : memref<1x1x48xi32, #tpu.memory_space<vmem>>, vector<1x1x48xi32>,
    %get3A_20 = arith.constant 0 : index
    %get3A_21 = arith.constant 0 : index
    %get3A_22 = vector.load %arg9[%get3A_20, %get3A_21] : memref<48x64xf32, #tpu.memory_space<vmem>>, vector<48x64xf32>
    %get3A_23 = arith.constant 0 : index
    %get3A_24 = arith.constant 0 : index
    %get3A_25 = arith.constant 0 : index
    %get3A_26 = vector.load %arg3[%get3A_23, %get3A_24, %get3A_25] : memref<1x4096x64xf32, #tpu.memory_space<vmem>>, vector<1x4096x64xf32>
    %get3A_27 = vector.shape_cast %get3A_26 : vector<1x4096x64xf32> to vector<4096x64xf32>
    %dot_general3A = arith.constant dense<0.000000e+00> : vector<48x4096xf32>
    %dot_general3A_28 = tpu.matmul %get3A_22, %get3A_27, %dot_general3A {dimension_numbers = #tpu.dot_dimension_numbers<[1], [1], [0], [0], [0, 0, 1, 0], [], []>, precision = #tpu.contract_precision<fp32>, transpose_lhs_hint = false} : vector<48x64xf32>, vector<4096x64xf32>, vector<48x4096xf32> -> vector<48x4096xf32>
    %mul3A = arith.constant 1.250000e-01 : f32
    %mul3A_29 = vector.broadcast %mul3A : f32 to vector<48x4096xf32>
    %mul3A_30 = arith.mulf %dot_general3A_28, %mul3A_29 : vector<48x4096xf32>
    %reduce_max3A = arith.constant dense<0xFF800000> : vector<48xf32>
    %reduce_max3A_31 = vector.multi_reduction <maximumf>, %mul3A_30, %reduce_max3A [1] : vector<48x4096xf32> to vector<48xf32>
    %broadcast_in_dim3A_32 = vector.shape_cast %reduce_max3A_31 : vector<48xf32> to vector<48x1xf32>
    %sub3A = vector.broadcast %broadcast_in_dim3A_32 : vector<48x1xf32> to vector<48x4096xf32>
    %sub3A_33 = arith.subf %mul3A_30, %sub3A : vector<48x4096xf32>
    %exp3A = math.exp %sub3A_33 : vector<48x4096xf32>
    %reduce_sum3A = arith.constant dense<0.000000e+00> : vector<48xf32>
    %reduce_sum3A_34 = vector.multi_reduction <add>, %exp3A, %reduce_sum3A [1] : vector<48x4096xf32> to vector<48xf32>
    %broadcast_in_dim3A_35 = vector.shape_cast %reduce_sum3A_34 : vector<48xf32> to vector<48x1xf32>
    %div3A = vector.broadcast %broadcast_in_dim3A_35 : vector<48x1xf32> to vector<48x4096xf32>
    %div3A_36 = arith.divf %exp3A, %div3A : vector<48x4096xf32>
    %get3A_37 = arith.constant 0 : index
    %get3A_38 = arith.constant 0 : index
    %get3A_39 = arith.constant 0 : index
    %get3A_40 = vector.load %arg4[%get3A_37, %get3A_38, %get3A_39] : memref<1x4096x64xf32, #tpu.memory_space<vmem>>, vector<1x4096x64xf32>
    %get3A_41 = vector.shape_cast %get3A_40 : vector<1x4096x64xf32> to vector<4096x64xf32>
    %dot_general3A_42 = arith.constant dense<0.000000e+00> : vector<48x64xf32>
    %dot_general3A_43 = tpu.matmul %div3A_36, %get3A_41, %dot_general3A_42 {dimension_numbers = #tpu.dot_dimension_numbers<[1], [0], [0], [1], [0, 0, 1, 1], [], []>, precision = #tpu.contract_precision<fp32>, transpose_lhs_hint = false} : vector<48x4096xf32>, vector<4096x64xf32>, vector<48x64xf32> -> vector<48x64xf32>
    %swap3A_44 = arith.constant 0 : index
    %swap3A_45 = arith.constant 0 : index
    %swap3A_46 = arith.constant 0 : index
    %swap3A_47 = vector.load %arg5[%swap3A_44, %swap3A_45, %swap3A_46] : memref<1x48x64xf32, #tpu.memory_space<vmem>>, vector<1x48x64xf32>
    %swap3A_48 = vector.shape_cast %swap3A_47 : vector<1x48x64xf32> to vector<48x64xf32>
    %swap3A_49 = vector.shape_cast %dot_general3A_43 : vector<48x64xf32> to vector<1x48x64xf32>
    tpu.vector_store %arg5[%swap3A_44, %swap3A_45, %swap3A_46], %swap3A_49 {strides = array<i32>} : memref<1x48x64xf32, #tpu.memory_space<vmem>>, vector<1x48x64xf32>,
    %get3A_50 = arith.constant 0 : index
    %get3A_51 = arith.constant 0 : index
    %get3A_52 = arith.constant 0 : index
    %get3A_53 = vector.load %arg4[%get3A_50, %get3A_51, %get3A_52] : memref<1x4096x64xf32, #tpu.memory_space<vmem>>, vector<1x4096x64xf32>
    %get3A_54 = vector.shape_cast %get3A_53 : vector<1x4096x64xf32> to vector<4096x64xf32>
    %reduce_sum3A_55 = arith.constant dense<0.000000e+00> : vector<64xf32>
    %reduce_sum3A_56 = vector.multi_reduction <add>, %get3A_54, %reduce_sum3A_55 [0] : vector<4096x64xf32> to vector<64xf32>
    %broadcast_in_dim3A_57 = vector.shape_cast %reduce_sum3A_56 : vector<64xf32> to vector<1x64xf32>
    %mul3A_58 = arith.constant 2.44140625E-4 : f32
    %mul3A_59 = vector.broadcast %mul3A_58 : f32 to vector<1x64xf32>
    %mul3A_60 = arith.mulf %broadcast_in_dim3A_57, %mul3A_59 : vector<1x64xf32>
    %broadcast_in_dim3A_61 = vector.shape_cast %mul3A_60 : vector<1x64xf32> to vector<1x64xf32>
    %broadcast_in_dim3A_62 = vector.broadcast %broadcast_in_dim3A_61 : vector<1x64xf32> to vector<8x64xf32>
    %swap3A_63 = arith.constant 0 : index
    %swap3A_64 = arith.constant 0 : index
    %swap3A_65 = arith.constant 0 : index
    %swap3A_66 = arith.constant 0 : index
    %swap3A_67 = vector.load %arg7[%swap3A_63, %swap3A_64, %swap3A_65, %swap3A_66] : memref<1x1x8x64xf32, #tpu.memory_space<vmem>>, vector<1x1x8x64xf32>
    %swap3A_68 = vector.shape_cast %swap3A_67 : vector<1x1x8x64xf32> to vector<8x64xf32>
    %swap3A_69 = vector.shape_cast %broadcast_in_dim3A_62 : vector<8x64xf32> to vector<1x1x8x64xf32>
    tpu.vector_store %arg7[%swap3A_63, %swap3A_64, %swap3A_65, %swap3A_66], %swap3A_69 {strides = array<i32>} : memref<1x1x8x64xf32, #tpu.memory_space<vmem>>, vector<1x1x8x64xf32>,
    return
  }
  func.func @transform_0(%arg0: i32) -> (i32, i32) {
    %c0_i32 = arith.constant 0 : i32
    %c0_i32_0 = arith.constant 0 : i32
    %c0_i32_1 = arith.constant 0 : i32
    return %c0_i32, %c0_i32_0 : i32, i32
  }
  func.func @transform_1(%arg0: i32) -> (i32, i32, i32) {
    %c0_i32 = arith.constant 0 : i32
    %c0_i32_0 = arith.constant 0 : i32
    %c0_i32_1 = arith.constant 0 : i32
    return %arg0, %c0_i32, %c0_i32_0 : i32, i32, i32
  }
  func.func @transform_2(%arg0: i32) -> (i32, i32, i32) {
    %c0_i32 = arith.constant 0 : i32
    %c0_i32_0 = arith.constant 0 : i32
    %c0_i32_1 = arith.constant 0 : i32
    return %arg0, %c0_i32, %c0_i32_0 : i32, i32, i32
  }
  func.func @transform_3(%arg0: i32) -> (i32, i32, i32) {
    %c0_i32 = arith.constant 0 : i32
    %c0_i32_0 = arith.constant 0 : i32
    %c0_i32_1 = arith.constant 0 : i32
    return %arg0, %c0_i32, %c0_i32_0 : i32, i32, i32
  }
  func.func @transform_4(%arg0: i32) -> (i32, i32, i32) {
    %c0_i32 = arith.constant 0 : i32
    %c0_i32_0 = arith.constant 0 : i32
    %c0_i32_1 = arith.constant 0 : i32
    return %arg0, %c0_i32, %c0_i32_0 : i32, i32, i32
  }
  func.func @transform_5(%arg0: i32) -> (i32, i32, i32) {
    %c0_i32 = arith.constant 0 : i32
    %c0_i32_0 = arith.constant 0 : i32
    %c0_i32_1 = arith.constant 0 : i32
    return %arg0, %c0_i32, %c0_i32_0 : i32, i32, i32
  }
  func.func @transform_6(%arg0: i32) -> (i32, i32, i32, i32) {
    %c0_i32 = arith.constant 0 : i32
    %c0_i32_0 = arith.constant 0 : i32
    %c0_i32_1 = arith.constant 0 : i32
    %c0_i32_2 = arith.constant 0 : i32
    return %arg0, %c0_i32, %c0_i32_0, %c0_i32_1 : i32, i32, i32, i32
  }
}

</mosaic_0001>

<sc_bundles>
// kernel: kernel.5.cloned.1.call-start
scs
__scs_entry_jumppad:
0x0: {  	(pc) =	sbr.rel $0x88, $3  }
0x1: {  	(tag) =	ssettag $0x0;
	lr =	simm.s32 $0x1  }
0x2: {  	[smem:$0x3F9E] =	sst lr;
	_ =	strace $0xD0000000  }
0x3: {  	_ = 	snop  }
0x4: {  	_ = 	snop  }
0x5: {  	_ = 	snop  }
0x6: {  	_ = 	snop  }
0x7: {  	_ = 	snop  }
__scs_overlays_trampoline_lowered:
0x8: {  	[smem:$0x3FAD] =	sst s0  }
0x9: {  	[smem:$0x3FAE] =	sst s1  }
0xa: {  	[smem:$0x3FAF] =	sst s2  }
0xb: {  	[smem:$0x3FB0] =	sst s3  }
0xc: {  	[smem:$0x3FB1] =	sst s4  }
0xd: {  	[smem:$0x3FB2] =	sst s5  }
0xe: {  	[smem:$0x3FB3] =	sst s6  }
0xf: {  	[smem:$0x3FB4] =	sst s7  }
0x10: {  	[smem:$0x3FB5] =	sst s8  }
0x11: {  	[smem:$0x3FB6] =	sst s9;
	s0 =	simm.s32 @!p0 $0x0  }
0x12: {  	s1 =	sld [smem:$0x3F9C];
	s0 =	simm.s32 @p0 $0x1  }
0x13: {  	[smem:$0x3FB7] =	sst s0;
	s0 =	simm.s32 @!p1 $0x0  }
0x14: {  	s2 =	sld [smem:$0x3F9B];
	s0 =	simm.s32 @p1 $0x1  }
0x15: {  	[smem:$0x3FB8] =	sst s0;
	s0 =	simm.s32 @!p2 $0x0  }
0x16: {  	s3 =	sld [smem:$0x3FDB];
	s0 =	simm.s32 @p2 $0x1  }
0x17: {  	s4 =	simm.s32 $0x1BF5;
	[smem:$0x3FBA] =	sst s0  }
0x18: {  	s0 =	sld [smem:$0x3F9D];
	_ =	swait.ge [sflag:s4], $0x0  }
0x19: {  	s7 =	sld [smem:$0x3F9E]  }
0x1a: {  	s8 =	sadd.s32 $0xFFFFE003, lr  }
0x1b: {  	s9 =	sadd.s32 $0xFFFFFEF7, lr;
	s5 =	simm.s32 $0xFFFFFFFF;
	p2 =	slt.u32 s8, $0xFFFFF086  }
0x1c: {  	p1 =	slt.u32 s9, $0xF7A;
	s5 =	simm.s32 @!p2 $0x0  }
0x1d: {  	s5 =	simm.s32 @p1 $0x1;
	p0 =	seq.s32 s7, s2  }
0x1e: {  	s7 =	smul.u32 @!p0 $0xF7A, s2;
	p2 =	seq.s32 @!p0 s5, $0x0  }
0x1f: {  	s9 =	smul.u32 $0xF7A, s1;
	s8 =	simm.s32 @!p0 $0x1BF5;
	p2 =	por !p2, p0  }
0x20: {  	[sflag:s8] =	ssyncset.s32 @!p0 $0xFFFFF086;
	s6 =	sadd.s32 @!p0 s3, s7;
	s7 =	simm.s32 @!p0 $0x108  }
0x21: {  	s3 =	sadd.s32 s3, s9;
	s6 =	sadd.s32 @!p0 $0x88, s6;
	s7 =	simm.s32 @p2 $0x1082  }
0x22: {  	[simem:s7], [sflag:s8] =	dma.local @!p0 [hbm:s6], $0xF7A  }
0x23: {  	s9 =	sor.u32 $0xD0000000, s2;
	s6 =	simm.s32 $0x108;
	_ =	swait.ge @!p0 [sflag:s8], $0x0  }
0x24: {  	s3 =	sadd.s32 $0x88, s3;
	s6 =	simm.s32 @!p1 $0x1082;
	[sflag:s4] =	ssyncset.s32 $0xFFFFF086  }
0x25: {  	[simem:s6], [sflag:s4] =	dma.local [hbm:s3], $0xF7A  }
0x26: {  	[smem:$0x3F9E] =	sst s1;
	(tag) =	ssettag s2;
	_ =	strace s9  }
0x27: {  	s1 =	sld [smem:$0x3FAE]  }
0x28: {  	s2 =	sld [smem:$0x3FAF]  }
0x29: {  	s4 =	sld [smem:$0x3FB1]  }
0x2a: {  	p0 =	seq.s32 s5, $0x0;
	s5 =	sld [smem:$0x3FB2]  }
0x2b: {  	s6 =	sld [smem:$0x3FB3]  }
0x2c: {  	s7 =	sld [smem:$0x3FB4]  }
0x2d: {  	s3 =	simm.s32 $0x108;
	s8 =	sld [smem:$0x3FB5]  }
0x2e: {  	s3 =	simm.s32 @!p0 $0x1082;
	s9 =	sld [smem:$0x3FB6]  }
0x2f: {  	lr =	sadd.s32 s0, s3;
	s0 =	sld [smem:$0x3FAD]  }
0x30: {  	s3 =	sld [smem:$0x3FB0]  }
0x31: {  	[smem:$0x3FB9] =	sst s10  }
0x32: {  	s10 =	sld [smem:$0x3FB7];
	_ =	sdelay $0x3  }
0x33: {  	p0 =	seq.s32 s10, $0x1;
	s10 =	sld [smem:$0x3FB9];
	_ =	sdelay $0x3  }
0x34: {  	[smem:$0x3FB9] =	sst s10  }
0x35: {  	s10 =	sld [smem:$0x3FB8];
	_ =	sdelay $0x3  }
0x36: {  	p1 =	seq.s32 s10, $0x1;
	s10 =	sld [smem:$0x3FB9];
	_ =	sdelay $0x3  }
0x37: {  	[smem:$0x3FB9] =	sst s10  }
0x38: {  	s10 =	sld [smem:$0x3FBA]  }
0x39: {  	_ = 	snop;
	(pc) =	sbr.ind lr, $3  }
0x3a: {  	_ = 	snop  }
0x3b: {  	_ = 	snop  }
0x3c: {  	p2 =	seq.s32 s10, $0x1;
	s10 =	sld [smem:$0x3FB9]  }
0x3d: {  	_ =	shalt  }
0x3e: {  	_ =	shalt  }
0x3f: {  	_ =	shalt  }
0x40: {  	_ =	shalt  }
0x41: {  	_ =	shalt  }
0x42: {  	_ =	shalt  }
0x43: {  	_ =	shalt  }
0x44: {  	_ =	shalt  }
0x45: {  	_ =	shalt  }
0x46: {  	_ =	shalt  }
0x47: {  	_ =	shalt  }
0x48: {  	_ =	shalt  }
0x49: {  	_ =	shalt  }
0x4a: {  	_ =	shalt  }
0x4b: {  	_ =	shalt  }
0x4c: {  	_ =	shalt  }
0x4d: {  	_ =	shalt  }
0x4e: {  	_ =	shalt  }
0x4f: {  	_ =	shalt  }
0x50: {  	_ =	shalt  }
0x51: {  	_ =	shalt  }
0x52: {  	_ =	shalt  }
0x53: {  	_ =	shalt  }
0x54: {  	_ =	shalt  }
0x55: {  	_ =	shalt  }
0x56: {  	_ =	shalt  }
0x57: {  	_ =	shalt  }
0x58: {  	_ =	shalt  }
0x59: {  	_ =	shalt  }
0x5a: {  	_ =	shalt  }
0x5b: {  	_ =	shalt  }
0x5c: {  	_ =	shalt  }
0x5d: {  	_ =	shalt  }
0x5e: {  	_ =	shalt  }
0x5f: {  	_ =	shalt  }
0x60: {  	_ =	shalt  }
0x61: {  	_ =	shalt  }
0x62: {  	_ =	shalt  }
0x63: {  	_ =	shalt  }
0x64: {  	_ =	shalt  }
0x65: {  	_ =	shalt  }
0x66: {  	_ =	shalt  }
0x67: {  	_ =	shalt  }
0x68: {  	_ =	shalt  }
0x69: {  	_ =	shalt  }
0x6a: {  	_ =	shalt  }
0x6b: {  	_ =	shalt  }
0x6c: {  	_ =	shalt  }
0x6d: {  	_ =	shalt  }
0x6e: {  	_ =	shalt  }
0x6f: {  	_ =	shalt  }
0x70: {  	_ =	shalt  }
0x71: {  	_ =	shalt  }
0x72: {  	_ =	shalt  }
0x73: {  	_ =	shalt  }
0x74: {  	_ =	shalt  }
0x75: {  	_ =	shalt  }
0x76: {  	_ =	shalt  }
0x77: {  	_ =	shalt  }
0x78: {  	_ =	shalt  }
0x79: {  	_ =	shalt  }
0x7a: {  	_ =	shalt  }
0x7b: {  	_ =	shalt  }
0x7c: {  	_ =	shalt  }
0x7d: {  	_ =	shalt  }
0x7e: {  	_ =	shalt  }
0x7f: {  	_ =	shalt  }
0x80: {  	_ =	shalt  }
0x81: {  	_ =	shalt  }
0x82: {  	_ =	shalt  }
0x83: {  	_ =	shalt  }
0x84: {  	_ =	shalt  }
0x85: {  	_ =	shalt  }
0x86: {  	_ =	shalt  }
0x87: {  	_ =	shalt  }
.Lfunc_end0:
.L_simem_size_0:
called_computation_lowered:
.L_overlay_start_0:
0x88: {  	s2 =	sld [smem:$0x3FD9]  }
0x89: {  	s3 =	sld [smem:$0x3FFE];
	_ =	sdelay $0x1  }
0x8a: {  	s1 =	srdreg.scid  }
0x8b: {  	s0 =	sand.u32 $0x1, s1  }
0x8c: {  	s17 =	sshll.u32 s0, $0xA;
	s2 =	sadd.s32 s3, s2  }
0x8d: {  	s2 =	sadd.s32 s2, s17  }
0x8e: {  	[smem:$0x3FC5] =	sst s2  }
0x8f: {  	_ = 	snop  }
0x90: {  	s2 =	sld [smem:$0x3FD0];
	(tm) =	ssettm $0x1  }
0x91: {  	s18 =	sld [smem:$0x3FFB];
	_ =	sdelay $0x3  }
0x92: {  	_ =	strace s18  }
0x93: {  	s3 =	sld [smem:$0x3FFC];
	_ =	sdelay $0x3  }
0x94: {  	_ =	strace s3  }
0x95: {  	s3 =	sld [smem:$0x3FFD];
	_ =	sdelay $0x3  }
0x96: {  	_ =	strace s3  }
0x97: {  	_ =	strace $0x8FFFFFFF  }
0x98: {  	s19 =	sld [smem:$0x3FDB];
	_ =	sdelay $0x1  }
0x99: {  	s4 =	simm.s32 $_scs_section_size  }
0x9a: {  	s5 =	simm.s32 $_size__tile_overlayer_lowered;
	s6 =	simm.s32 $_tile_overlayer_lowered  }
0x9b: {  	s22 =	simm.s32 $0x1BFF;
	s21 =	sshll.u32 s6, $0x1;
	s3 =	sadd.s32 s4, s19  }
0x9c: {  	s7 =	simm.s32 $0x0;
	s20 =	sshll.u32 s5, $0x1;
	s5 =	sadd.s32 s21, s3  }
0x9d: {  	[timem:s7], [sflag:s22] =	dma.local [hbm:s5], s20  }
0x9e: {  	_ =	swait.ge [sflag:s22], s20  }
0x9f: {  	s4 =	ssub.s32 $0x0, s20;
	[sflag:s22] =	ssyncset.done $0x0  }
0xa0: {  	[sflag:s22] =	ssyncadd.s32 s4;
	_ =	sdelay $0x1  }
0xa1: {  	s23 =	simm.s32 $0x1B8B  }
0xa2: {  	_ =	swait.ge [sflag:s23], $0x1  }
0xa3: {  	[sflag:s23] =	ssyncset.done $0x0  }
0xa4: {  	s25 =	simm.s32 $0x1B8E;
	s24 =	sld [smem:$0x3FFE];
	[sflag:s23] =	ssyncadd.s32 $0xFFFFFFFF  }
0xa5: {  	s26 =	simm.s32 $execute0_lowered;
	[smem:$0x3FD2] =	sst s25  }
0xa6: {  	s5 =	sshll.u32 s26, $0x1;
	_ =	strace $0x80000046;
	[dreg:$0x1] =	wrdreg $0xFFFFFFFF  }
0xa7: {  	s28 =	simm.s32 $_size_execute0_lowered;
	s3 =	sadd.s32 s3, s5;
	[dreg:$0x0] =	wrdreg $0x0  }
0xa8: {  	s5 =	sshll.u32 s28, $0x1;
	[dreg:$0x2] =	wrdreg s3  }
0xa9: {  	[dreg:$0x3] =	wrdreg s5  }
0xaa: {  	[dreg:$0x4] =	wrdreg $0xC0  }
0xab: {  	_ =	task [dreg:s7], $0x5FFFF  }
0xac: {  	[dreg:$0x1] =	wrdreg $0xFFFFFFFF  }
0xad: {  	[dreg:$0x0] =	wrdreg $0x60  }
0xae: {  	[dreg:$0x2] =	wrdreg s24  }
0xaf: {  	[dreg:$0x3] =	wrdreg s2  }
0xb0: {  	[dreg:$0x4] =	wrdreg $0x9  }
0xb1: {  	_ =	task.clear_ibuf [dreg:s7], $0x5FFFF;
	_ =	strace $0x90000046  }
0xb2: {  	s29 =	simm.s32 $0x9;
	_ =	strace $0x80000048  }
0xb3: {  	_ =	swait.ge [sflag:s29], $0x1  }
0xb4: {  	[sflag:s29] =	ssyncadd.s32 $0xFFFFFFFF  }
0xb5: {  	_ =	strace $0x90000048  }
0xb6: {  	_ =	sfence  }
0xb7: {  	s30 =	sld [smem:$0x0];
	_ =	sdelay $0x2  }
0xb8: {  	s31 =	sshll.u32 s1, $0xD;
	s1 =	sshrl.u32 s1, $0x2  }
0xb9: {  	s3 =	sand.u32 $0x4000, s31;
	s1 =	sadd.s32 s1, s30  }
0xba: {  	s0 =	sor.u32 s3, s0;
	s1 =	sshll.u32 s1, $0x11  }
0xbb: {  	s0 =	sor.u32 s1, s0  }
0xbc: {  	s0 =	sadd.s32 $0x8F2B, s0  }
0xbd: {  	[sflag:s0] =	ssyncadd.remote.s32 $0x1  }
0xbe: {  	_ =	sfence.sel $0xFFFF  }
0xbf: {  	[dreg:$0x0] =	wrdreg $0xFFFFFFFF;
	(pc) =	sbr.abs _section_cstart, $3  }
0xc0: {  	[dreg:$0x1] =	wrdreg $0xFFFFFFFF  }
0xc1: {  	_ =	task.clear_ibuf [dreg:s7], $0x2FFFF;
	_ =	strace $0x9FFFFFFF  }
0xc2: {  	(tm) =	ssettm $0x7FFFFFFF  }
0xc3: {  	_ =	shalt  }
tec
execute0_lowered:
.L_overlay_start_1:
0x0: {  	(tag) =	ssettag $0x1  }
0x1: {  	v0 =	vlaneseq.u32  }
0x2: {  	v3 =	vor.u32 $0xC000, v0  }
0x3: {  	[tilespmem:$0x1FEA0] =	vst v3;
	v3 =	vor.u32 $0xC010, v0  }
0x4: {  	v25 =	vor.u32 $0xC160, v0;
	[tilespmem:$0x1FEB0] =	vst v3;
	v3 =	vor.u32 $0xC020, v0  }
0x5: {  	v26 =	vor.u32 $0xC170, v0;
	v27 =	vor.u32 $0xC180, v0;
	[tilespmem:$0x1FEC0] =	vst v3;
	v3 =	vor.u32 $0xC030, v0  }
0x6: {  	v28 =	vor.u32 $0xC190, v0;
	v29 =	vor.u32 $0xC1A0, v0;
	[tilespmem:$0x1FED0] =	vst v3;
	v3 =	vor.u32 $0xC040, v0  }
0x7: {  	v30 =	vor.u32 $0xC1B0, v0;
	v31 =	vor.u32 $0xC1C0, v0;
	[tilespmem:$0x1FEE0] =	vst v3;
	v3 =	vor.u32 $0xC050, v0  }
0x8: {  	v32 =	vor.u32 $0xC1D0, v0;
	v33 =	vor.u32 $0xC1E0, v0;
	[tilespmem:$0x1FEF0] =	vst v3;
	v3 =	vor.u32 $0xC060, v0  }
0x9: {  	v34 =	vor.u32 $0xC1F0, v0;
	v35 =	vor.u32 $0xC200, v0;
	[tilespmem:$0x1FF00] =	vst v3;
	v3 =	vor.u32 $0xC070, v0  }
0xa: {  	s1 =	srdreg.scid;
	s0 =	stileid.u32;
	v36 =	vor.u32 $0xC210, v0;
	v37 =	vor.u32 $0xC220, v0;
	[tilespmem:$0x1FF10] =	vst v3;
	v3 =	vor.u32 $0xC080, v0  }
0xb: {  	s8 =	rddreg [dreg:$0x0];
	s3 =	simm.s32 $0x0;
	s24 =	simm.s32 $0x3;
	v38 =	vor.u32 $0xC230, v0;
	v39 =	vor.u32 $0xC240, v0;
	[tilespmem:$0x1FF20] =	vst v3;
	v3 =	vor.u32 $0xC090, v0  }
0xc: {  	s25 =	simm.s32 $0x1800;
	s28 =	simm.s32 $0x1;
	s29 =	simm.s32 $0x400;
	v40 =	vor.u32 $0xC250, v0;
	v41 =	vor.u32 $0xC260, v0;
	[tilespmem:$0x1FF30] =	vst v3;
	v3 =	vor.u32 $0xC0A0, v0  }
0xd: {  	s30 =	simm.s32 $0x1C00;
	s6 =	sand.u32 $0x1, s1;
	s26 =	sshll.u32 s0, $0x1;
	v42 =	vor.u32 $0xC270, v0;
	v43 =	vor.u32 $0xC280, v0;
	[tilespmem:$0x1FF40] =	vst v3;
	v3 =	vor.u32 $0xC0B0, v0  }
0xe: {  	[smem:$0x7FF] =	sst s3;
	s4 =	sadd.s32 $0x1E00, s8;
	v44 =	vor.u32 $0xC290, v0;
	v45 =	vor.u32 $0xC2A0, v0;
	s7 =	sor.u32 s6, s26;
	[tilespmem:$0x1FF50] =	vst v3;
	v3 =	vor.u32 $0xC0C0, v0  }
0xf: {  	s31 =	simm.s32 $0x2;
	s5 =	sadd.s32 $0x2400, s8;
	v46 =	vor.u32 $0xC2B0, v0;
	v47 =	vor.u32 $0xC2C0, v0;
	s1 =	smul.u32 $0x600, s7;
	[tilespmem:$0x1FF60] =	vst v3;
	v3 =	vor.u32 $0xC0D0, v0  }
0x10: {  	v48 =	vor.u32 $0xC2D0, v0;
	v49 =	vor.u32 $0xC2E0, v0;
	s10 =	ssub.s32 $0x2, s6;
	s26 =	simm.s32 $0x2000;
	s9 =	smul.u32 $0x3000, s7;
	[tilespmem:$0x1FF70] =	vst v3;
	v3 =	vor.u32 $0xC0E0, v0  }
0x11: {  	v50 =	vor.u32 $0xC2F0, v0;
	v51 =	vor.u32 $0xC300, v0;
	s11 =	sshrl.u32 s10, $0x1;
	s12 =	smul.u32 $0x18000, s7;
	s7 =	sadd.s32 $0x2200, s8;
	[tilespmem:$0x1FF80] =	vst v3;
	v3 =	vor.u32 $0xC0F0, v0  }
0x12: {  	v52 =	vor.u32 $0xC310, v0;
	s23 =	ssub.s32 s10, s11;
	s2 =	sadd.s32 $0x600, s1;
	v1 =	vmov s1;
	s1 =	rddreg [dreg:$0x2];
	[tilespmem:$0x1FF90] =	vst v3;
	v3 =	vor.u32 $0xC100, v0  }
0x13: {  	v53 =	vor.u32 $0xC320, v0;
	v54 =	vor.u32 $0xC330, v0;
	s6 =	sadd.s32 s5, s9;
	s13 =	sshrl.u32 s12, $0x3;
	s23 =	smax.u32 s23, $0x1;
	[tilespmem:$0x1FFA0] =	vst v3;
	v3 =	vor.u32 $0xC110, v0  }
0x14: {  	v55 =	vor.u32 $0xC340, v0;
	v2 =	vmov s2;
	s2 =	rddreg [dreg:$0x1];
	s8 =	sadd.s32 $0x300, s6;
	s9 =	sadd.s32 $0x600, s6;
	[tilespmem:$0x1FFB0] =	vst v3;
	v3 =	vor.u32 $0xC120, v0  }
0x15: {  	v56 =	vor.u32 $0xC350, v0;
	v57 =	vor.u32 $0xC360, v0;
	s10 =	sadd.s32 $0x900, s6;
	s11 =	sadd.s32 $0xC00, s6;
	s22 =	sadd.s32 s5, s13;
	[tilespmem:$0x1FFC0] =	vst v3;
	v3 =	vor.u32 $0xC130, v0  }
0x16: {  	v58 =	vor.u32 $0xC370, v0;
	s12 =	sadd.s32 $0xF00, s6;
	s13 =	sadd.s32 $0x1200, s22;
	s14 =	sadd.s32 $0x1500, s22;
	[tilespmem:$0x1FFD0] =	vst v3;
	v3 =	vor.u32 $0xC140, v0  }
0x17: {  	v59 =	vor.u32 $0xC380, v0;
	s15 =	sadd.s32 $0x1800, s22;
	s16 =	sadd.s32 $0x1B00, s22;
	s17 =	sadd.s32 $0x1E00, s22;
	[tilespmem:$0x1FFE0] =	vst v3;
	v3 =	vor.u32 $0xC150, v0  }
0x18: {  	v60 =	vor.u32 $0xC390, v0;
	v61 =	vor.u32 $0xC3A0, v0;
	s18 =	sadd.s32 $0x2100, s22;
	s19 =	sadd.s32 $0x2400, s22;
	s20 =	sadd.s32 $0x2700, s22;
	[tilespmem:$0x1FFF0] =	vst v3  }
0x19: {  	v62 =	vor.u32 $0xC3B0, v0;
	v63 =	vor.u32 $0xC3C0, v0;
	s21 =	sadd.s32 $0x2A00, s22;
	s22 =	sadd.s32 $0x2D00, s22;
	_ =	strace $0x80000047  }
.LBB2_1:
0x1a: {  	[tilespmem:s3], [sflag:$0x3] =	stream.linear.gather [hbm4b:s4+s3], $0x1800, $0x38;
	[tilespmem:$0x12000] =	vst v63  }
0x1b: {  	_ =	swait.ge [sflag:s24], $0x1800  }
0x1c: {  	[sflag:s24] =	ssyncset.done $0x0  }
0x1d: {  	[sflag:s24] =	ssyncadd.s32 $0xFFFFE800  }
0x1e: {  	[tilespmem:s25], [sflag:$0x3] =	stream.linear.gather [hbm4b:s7+s3], $0x400, $0x38;
	[tilespmem:$0x12000] =	vst v63  }
0x1f: {  	_ =	swait.ge [sflag:s24], $0x400  }
0x20: {  	[sflag:s24] =	ssyncset.done $0x0  }
0x21: {  	[sflag:s24] =	ssyncadd.s32 $0xFFFFFC00  }
0x22: {  	[tilespmem:s26], [sflag:$0x3] =	stream.linear.gather [hbm4b:s2+s3], $0x10000, $0x38;
	[tilespmem:$0x12000] =	vst v63  }
0x23: {  	_ =	swait.ge [sflag:s24], $0x10000  }
0x24: {  	v8 =	vld [tilespmem:$0x1FEA0]  }
0x25: {  	v10 =	vld [tilespmem:$0x1FEB0]  }
0x26: {  	v19 =	vld [tilespmem:$0x1FEC0]  }
0x27: {  	v11 =	vld [tilespmem:$0x1FED0]  }
0x28: {  	v13 =	vld [tilespmem:$0x1FEE0]  }
0x29: {  	v21 =	vld [tilespmem:$0x1FEF0]  }
0x2a: {  	[sflag:s24] =	ssyncset.done $0x0;
	v14 =	vld [tilespmem:$0x1FF00]  }
0x2b: {  	v16 =	vld [tilespmem:$0x1FF10];
	[sflag:s24] =	ssyncadd.s32 $0xFFFF0000  }
0x2c: {  	v3 =	vld [tilespmem:$0x1800]  }
0x2d: {  	v4 =	vld [tilespmem:$0x1810]  }
0x2e: {  	v5 =	vld [tilespmem:$0x1820]  }
0x2f: {  	v6 =	vld [tilespmem:$0x1830]  }
0x30: {  	v7 =	vld [tilespmem:$0x1840]  }
0x31: {  	v18 =	vld [tilespmem:$0x1850]  }
0x32: {  	v9 =	vld [tilespmem:$0x1860]  }
0x33: {  	v17 =	vld [tilespmem:$0x1FF30];
	vm0 =	vge.s32 v3, v1;
	vm1 =	vlt.s32 v3, v2;
	vm11 =	vge.s32 v4, v1  }
0x34: {  	v20 =	vld [tilespmem:$0x1870];
	vm12 =	vlt.s32 v4, v2;
	vm13 =	vge.s32 v5, v1;
	vm2 =	vlt.s32 v5, v2  }
0x35: {  	v12 =	vld [tilespmem:$0x1890];
	vm14 =	vge.s32 v6, v1;
	vm3 =	vlt.s32 v6, v2;
	vm4 =	vge.s32 v7, v1  }
0x36: {  	v22 =	vld [tilespmem:$0x18A0];
	vm5 =	vlt.s32 v7, v2;
	vm6 =	vge.s32 v18, v1;
	vm7 =	vlt.s32 v18, v2  }
0x37: {  	v23 =	vld [tilespmem:$0x18B0];
	vm8 =	vge.s32 v9, v1;
	vm9 =	vlt.s32 v9, v2;
	vm0 =	vmand vm0, vm1  }
0x38: {  	v15 =	vld [tilespmem:$0x18C0];
	vm1 =	vmand vm13, vm2;
	vm15 =	vmand vm14, vm3;
	vm10 =	vmand vm8, vm9  }
0x39: {  	v24 =	vld [tilespmem:$0x1950];
	v3 =	vsel vm0, v3, v8;
	vm0 =	vmand vm11, vm12;
	v5 =	vsel vm1, v5, v19  }
0x3a: {  	v6 =	vsel vm15, v6, v11;
	vm1 =	vmand vm6, vm7;
	vm11 =	vge.s32 v20, v1;
	v19 =	vld [tilespmem:$0x1FF40]  }
0x3b: {  	v11 =	vld [tilespmem:$0x1880];
	vm12 =	vlt.s32 v20, v2;
	v4 =	vsel vm0, v4, v10;
	vm0 =	vmand vm4, vm5  }
0x3c: {  	v8 =	vsel vm1, v18, v21;
	v18 =	vld [tilespmem:$0x18F0];
	v7 =	vsel vm0, v7, v13;
	vm0 =	vmand vm11, vm12  }
0x3d: {  	vm8 =	vge.s32 v22, v1;
	vm9 =	vlt.s32 v22, v2;
	v10 =	vsel vm0, v20, v16;
	v16 =	vld [tilespmem:$0x18D0]  }
0x3e: {  	v20 =	vld [tilespmem:$0x1FF20];
	vm0 =	vmand vm8, vm9  }
0x3f: {  	vm15 =	vge.s32 v12, v1;
	vm6 =	vlt.s32 v12, v2;
	v13 =	vsel vm0, v22, v19;
	v22 =	vld [tilespmem:$0x1FF70]  }
0x40: {  	vm7 =	vmand vm15, vm6;
	v21 =	vld [tilespmem:$0x1FF50]  }
0x41: {  	v12 =	vsel vm7, v12, v17;
	v17 =	vld [tilespmem:$0x18E0];
	vm13 =	vge.s32 v11, v1;
	vm14 =	vlt.s32 v11, v2  }
0x42: {  	v19 =	vld [tilespmem:$0x1900];
	vm1 =	vmand vm13, vm14;
	vm15 =	vge.s32 v16, v1;
	vm4 =	vlt.s32 v16, v2  }
0x43: {  	v9 =	vsel vm10, v9, v14;
	v11 =	vsel vm1, v11, v20;
	v20 =	vld [tilespmem:$0x1FF60];
	vm0 =	vmand vm15, vm4  }
0x44: {  	vm10 =	vge.s32 v23, v1;
	vm11 =	vlt.s32 v23, v2;
	v16 =	vsel vm0, v16, v22;
	v22 =	vld [tilespmem:$0x1FF80]  }
0x45: {  	[tilespmem:$0x1C00] =	vst v3;
	v3 =	vld [tilespmem:$0x1FFA0];
	vm12 =	vge.s32 v15, v1;
	vm13 =	vlt.s32 v15, v2;
	vm1 =	vmand vm10, vm11  }
0x46: {  	vm5 =	vge.s32 v17, v1;
	vm6 =	vlt.s32 v17, v2;
	v14 =	vsel vm1, v23, v21;
	v21 =	vld [tilespmem:$0x1920]  }
0x47: {  	vm14 =	vmand vm12, vm13;
	vm1 =	vmand vm5, vm6;
	v23 =	vld [tilespmem:$0x1FF90]  }
0x48: {  	vm10 =	vge.s32 v19, v1;
	vm11 =	vlt.s32 v19, v2;
	v15 =	vsel vm14, v15, v20;
	v20 =	vld [tilespmem:$0x1910]  }
0x49: {  	vm0 =	vmand vm10, vm11;
	v17 =	vsel vm1, v17, v22;
	v22 =	vld [tilespmem:$0x1930]  }
0x4a: {  	vm7 =	vge.s32 v18, v1;
	vm8 =	vlt.s32 v18, v2;
	v3 =	vsel vm0, v19, v3;
	v19 =	vld [tilespmem:$0x1FFB0]  }
0x4b: {  	[tilespmem:$0x1C30] =	vst v6;
	v6 =	vld [tilespmem:$0x1FFD0];
	vm9 =	vmand vm7, vm8  }
0x4c: {  	[tilespmem:$0x1C10] =	vst v4;
	v4 =	vld [tilespmem:$0x1FFC0];
	v18 =	vsel vm9, v18, v23  }
0x4d: {  	[tilespmem:$0x1C20] =	vst v5;
	v5 =	vld [tilespmem:$0x1980];
	vm14 =	vge.s32 v21, v1;
	vm12 =	vge.s32 v20, v1;
	vm13 =	vlt.s32 v20, v2  }
0x4e: {  	v23 =	vld [tilespmem:$0x1940];
	vm1 =	vmand vm12, vm13;
	vm7 =	vge.s32 v22, v1;
	vm8 =	vlt.s32 v22, v2  }
0x4f: {  	vm15 =	vlt.s32 v21, v2;
	v19 =	vsel vm1, v20, v19;
	v20 =	vld [tilespmem:$0x1960];
	vm0 =	vmand vm7, vm8  }
0x50: {  	vm6 =	vmand vm14, vm15;
	v6 =	vsel vm0, v22, v6;
	v22 =	vld [tilespmem:$0x1FFE0]  }
0x51: {  	v4 =	vsel vm6, v21, v4;
	v21 =	vld [tilespmem:$0x1970]  }
0x52: {  	[tilespmem:$0x1C60] =	vst v9;
	v9 =	vld [tilespmem:$0x19B0]  }
0x53: {  	[tilespmem:$0x1C90] =	vst v12;
	v12 =	vld [tilespmem:$0x19D0];
	vm11 =	vge.s32 v24, v1;
	vm9 =	vge.s32 v23, v1;
	vm10 =	vlt.s32 v23, v2  }
0x54: {  	[tilespmem:$0x1CA0] =	vst v13;
	v13 =	vld [tilespmem:$0x19E0];
	vm6 =	vge.s32 v5, v1;
	vm12 =	vlt.s32 v24, v2;
	vm1 =	vmand vm9, vm10  }
0x55: {  	[tilespmem:$0x1C40] =	vst v7;
	vm14 =	vge.s32 v20, v1;
	vm15 =	vlt.s32 v20, v2;
	v7 =	vsel vm1, v23, v22;
	v23 =	vld [tilespmem:$0x1FFF0]  }
0x56: {  	[tilespmem:$0x1C50] =	vst v8;
	vm13 =	vmand vm11, vm12;
	vm4 =	vge.s32 v21, v1;
	vm0 =	vmand vm14, vm15;
	v22 =	vld [tilespmem:$0x1990]  }
0x57: {  	[tilespmem:$0x1C70] =	vst v10;
	vm5 =	vlt.s32 v21, v2;
	vm7 =	vlt.s32 v5, v2;
	v10 =	vsel vm0, v20, v25;
	v20 =	vld [tilespmem:$0x19C0]  }
0x58: {  	[tilespmem:$0x1CD0] =	vst v16;
	v16 =	vld [tilespmem:$0x1A00];
	vm8 =	vmand vm6, vm7;
	vm6 =	vge.s32 v12, v1;
	vm7 =	vlt.s32 v12, v2  }
0x59: {  	[tilespmem:$0x1C80] =	vst v11;
	v5 =	vsel vm8, v5, v27;
	vm8 =	vge.s32 v13, v1;
	vm1 =	vmand vm4, vm5  }
0x5a: {  	[tilespmem:$0x1CE0] =	vst v17;
	v17 =	vld [tilespmem:$0x1A10];
	vm14 =	vlt.s32 v9, v2;
	v11 =	vsel vm1, v21, v26;
	v8 =	vsel vm13, v24, v23  }
0x5b: {  	[tilespmem:$0x1CF0] =	vst v18;
	v18 =	vld [tilespmem:$0x1A20];
	vm9 =	vge.s32 v22, v1;
	vm10 =	vlt.s32 v22, v2;
	vm13 =	vge.s32 v9, v1  }
0x5c: {  	v23 =	vld [tilespmem:$0x19A0];
	vm4 =	vge.s32 v20, v1;
	vm5 =	vlt.s32 v20, v2;
	vm0 =	vmand vm9, vm10  }
0x5d: {  	v21 =	vld [tilespmem:$0x19F0];
	vm15 =	vmand vm13, vm14;
	vm9 =	vlt.s32 v13, v2;
	vm13 =	vge.s32 v16, v1  }
0x5e: {  	[tilespmem:$0x1CB0] =	vst v14;
	vm14 =	vlt.s32 v16, v2;
	v14 =	vsel vm0, v22, v28;
	v9 =	vsel vm15, v9, v30  }
0x5f: {  	vm0 =	vmand vm4, vm5;
	vm10 =	vmand vm8, vm9;
	v22 =	vld [tilespmem:$0x1A30];
	vm15 =	vge.s32 v17, v1  }
0x60: {  	[tilespmem:$0x1D00] =	vst v3;
	vm8 =	vge.s32 v18, v1;
	vm9 =	vlt.s32 v18, v2;
	v3 =	vsel vm0, v20, v31  }
0x61: {  	[tilespmem:$0x1CC0] =	vst v15;
	v13 =	vsel vm10, v13, v33;
	vm11 =	vge.s32 v23, v1;
	vm12 =	vlt.s32 v23, v2  }
0x62: {  	[tilespmem:$0x1D60] =	vst v10;
	v10 =	vld [tilespmem:$0x1A70];
	vm1 =	vmand vm11, vm12;
	vm11 =	vge.s32 v21, v1;
	vm12 =	vlt.s32 v21, v2  }
0x63: {  	[tilespmem:$0x1D10] =	vst v19;
	v19 =	vld [tilespmem:$0x1AC0];
	v15 =	vsel vm1, v23, v29;
	vm1 =	vmand vm6, vm7;
	vm0 =	vmand vm11, vm12  }
0x64: {  	[tilespmem:$0x1D30] =	vst v6;
	v23 =	vld [tilespmem:$0x1A40];
	vm6 =	vlt.s32 v17, v2;
	vm10 =	vge.s32 v22, v1;
	vm11 =	vlt.s32 v22, v2  }
0x65: {  	[tilespmem:$0x1D80] =	vst v5;
	v12 =	vsel vm1, v12, v32;
	vm1 =	vmand vm13, vm14;
	v6 =	vsel vm0, v21, v34;
	v21 =	vld [tilespmem:$0x1A80]  }
0x66: {  	[tilespmem:$0x1D40] =	vst v7;
	vm7 =	vmand vm15, vm6;
	vm0 =	vmand vm8, vm9;
	v7 =	vsel vm1, v16, v35;
	v16 =	vld [tilespmem:$0x1A50]  }
0x67: {  	[tilespmem:$0x1D50] =	vst v8;
	vm8 =	vlt.s32 v10, v2;
	v8 =	vsel vm7, v17, v36;
	v17 =	vld [tilespmem:$0x1A60];
	vm1 =	vmand vm10, vm11  }
0x68: {  	[tilespmem:$0x1D70] =	vst v11;
	v5 =	vsel vm0, v18, v37;
	vm7 =	vge.s32 v10, v1;
	v11 =	vsel vm1, v22, v38  }
0x69: {  	v22 =	vld [tilespmem:$0x1A90];
	vm9 =	vmand vm7, vm8;
	vm12 =	vge.s32 v23, v1;
	vm13 =	vlt.s32 v23, v2  }
0x6a: {  	[tilespmem:$0x1D20] =	vst v4;
	v10 =	vsel vm9, v10, v42;
	vm9 =	vge.s32 v19, v1;
	vm14 =	vmand vm12, vm13  }
0x6b: {  	[tilespmem:$0x1D90] =	vst v14;
	v20 =	vld [tilespmem:$0x1AD0];
	vm10 =	vge.s32 v21, v1;
	vm11 =	vlt.s32 v21, v2;
	vm15 =	vge.s32 v16, v1  }
0x6c: {  	[tilespmem:$0x1DB0] =	vst v9;
	vm4 =	vlt.s32 v16, v2;
	vm5 =	vge.s32 v17, v1;
	vm6 =	vlt.s32 v17, v2  }
0x6d: {  	[tilespmem:$0x1DC0] =	vst v3;
	v18 =	vld [tilespmem:$0x1B10];
	v4 =	vsel vm14, v23, v39;
	vm0 =	vmand vm15, vm4;
	vm1 =	vmand vm5, vm6  }
0x6e: {  	[tilespmem:$0x1DE0] =	vst v13;
	v23 =	vld [tilespmem:$0x1AA0];
	vm12 =	vge.s32 v22, v1;
	vm13 =	vlt.s32 v22, v2;
	v3 =	vsel vm0, v16, v40  }
0x6f: {  	[tilespmem:$0x1DA0] =	vst v15;
	v9 =	vsel vm1, v17, v41;
	v16 =	vld [tilespmem:$0x1AB0];
	vm0 =	vmand vm10, vm11;
	vm1 =	vmand vm12, vm13  }
0x70: {  	[tilespmem:$0x1DF0] =	vst v6;
	vm10 =	vlt.s32 v19, v2;
	vm11 =	vge.s32 v20, v1;
	v6 =	vsel vm0, v21, v43;
	v21 =	vld [tilespmem:$0x1AE0]  }
0x71: {  	[tilespmem:$0x1E00] =	vst v7;
	vm12 =	vlt.s32 v20, v2;
	v7 =	vsel vm1, v22, v44;
	v22 =	vld [tilespmem:$0x1AF0];
	vm1 =	vmand vm9, vm10  }
0x72: {  	[tilespmem:$0x1DD0] =	vst v12;
	vm13 =	vmand vm11, vm12;
	vm9 =	vge.s32 v18, v1;
	v17 =	vsel vm1, v19, v47  }
0x73: {  	[tilespmem:$0x1E50] =	vst v3;
	v3 =	vsel vm13, v20, v48;
	v19 =	vld [tilespmem:$0x1B20];
	vm14 =	vge.s32 v23, v1;
	vm15 =	vlt.s32 v23, v2  }
0x74: {  	[tilespmem:$0x1E10] =	vst v8;
	v20 =	vld [tilespmem:$0x1B30];
	vm6 =	vmand vm14, vm15;
	vm7 =	vge.s32 v16, v1;
	vm8 =	vlt.s32 v16, v2  }
0x75: {  	[tilespmem:$0x1E20] =	vst v5;
	vm10 =	vlt.s32 v18, v2;
	v8 =	vsel vm6, v23, v45;
	vm0 =	vmand vm7, vm8  }
0x76: {  	[tilespmem:$0x1E30] =	vst v11;
	vm14 =	vge.s32 v21, v1;
	vm15 =	vlt.s32 v21, v2;
	vm4 =	vge.s32 v22, v1  }
0x77: {  	[tilespmem:$0x1E40] =	vst v4;
	v23 =	vld [tilespmem:$0x1B00];
	vm5 =	vlt.s32 v22, v2;
	v4 =	vsel vm0, v16, v46;
	vm0 =	vmand vm14, vm15  }
0x78: {  	[tilespmem:$0x1E70] =	vst v10;
	vm1 =	vmand vm4, vm5;
	vm11 =	vge.s32 v19, v1;
	vm12 =	vlt.s32 v19, v2  }
0x79: {  	[tilespmem:$0x1E60] =	vst v9;
	v16 =	vld [tilespmem:$0x1B60];
	vm13 =	vge.s32 v20, v1;
	vm14 =	vlt.s32 v20, v2;
	v21 =	vsel vm0, v21, v49  }
0x7a: {  	[tilespmem:$0x1E80] =	vst v6;
	v10 =	vsel vm1, v22, v50;
	v22 =	vld [tilespmem:$0x1B40];
	vm0 =	vmand vm9, vm10;
	vm1 =	vmand vm11, vm12  }
0x7b: {  	[tilespmem:$0x1EC0] =	vst v17;
	vm15 =	vmand vm13, vm14;
	v17 =	vsel vm0, v18, v52;
	v18 =	vsel vm1, v19, v53;
	v19 =	vld [tilespmem:$0x1B70]  }
0x7c: {  	[tilespmem:$0x1ED0] =	vst v3;
	v3 =	vsel vm15, v20, v54;
	v20 =	vld [tilespmem:$0x1B80];
	vm6 =	vge.s32 v23, v1;
	vm7 =	vlt.s32 v23, v2  }
0x7d: {  	[tilespmem:$0x1EE0] =	vst v21;
	v21 =	vld [tilespmem:$0x1B90];
	vm8 =	vmand vm6, vm7  }
0x7e: {  	[tilespmem:$0x1E90] =	vst v7;
	v5 =	vsel vm8, v23, v51;
	v23 =	vld [tilespmem:$0x1B50]  }
0x7f: {  	v14 =	vld [tilespmem:$0x1BB0];
	[tilespmem:$0x1EA0] =	vst v8;
	vm8 =	vge.s32 v16, v1;
	vm9 =	vlt.s32 v16, v2  }
0x80: {  	[tilespmem:$0x1EB0] =	vst v4;
	vm4 =	vge.s32 v22, v1;
	vm5 =	vlt.s32 v22, v2;
	vm10 =	vmand vm8, vm9  }
0x81: {  	[tilespmem:$0x1F30] =	vst v3;
	v3 =	vld [tilespmem:$0x1BD0];
	vm0 =	vmand vm4, vm5;
	v13 =	vsel vm10, v16, v57;
	vm11 =	vge.s32 v19, v1  }
0x82: {  	[tilespmem:$0x1F10] =	vst v17;
	v17 =	vld [tilespmem:$0x1BE0];
	vm12 =	vlt.s32 v19, v2;
	vm13 =	vge.s32 v20, v1;
	vm14 =	vlt.s32 v20, v2  }
0x83: {  	v15 =	vld [tilespmem:$0x1BC0];
	[tilespmem:$0x1EF0] =	vst v10;
	vm15 =	vge.s32 v21, v1;
	vm6 =	vge.s32 v23, v1;
	vm7 =	vlt.s32 v23, v2  }
0x84: {  	[tilespmem:$0x1F20] =	vst v18;
	vm10 =	vge.s32 v14, v1;
	v22 =	vsel vm0, v22, v55;
	vm1 =	vmand vm6, vm7  }
0x85: {  	[tilespmem:$0x1F00] =	vst v5;
	vm0 =	vmand vm11, vm12;
	vm11 =	vlt.s32 v14, v2;
	v7 =	vsel vm1, v23, v56;
	v23 =	vld [tilespmem:$0x1BA0]  }
0x86: {  	[tilespmem:$0x1F60] =	vst v13;
	vm4 =	vlt.s32 v3, v2;
	v16 =	vsel vm0, v19, v58;
	vm12 =	vmand vm10, vm11  }
0x87: {  	[tilespmem:$0x1F40] =	vst v22;
	vm10 =	vge.s32 v17, v1;
	vm11 =	vlt.s32 v17, v2;
	vm6 =	vlt.s32 v21, v2  }
0x88: {  	v19 =	vld [tilespmem:$0x1BF0];
	[tilespmem:$0x1F70] =	vst v16;
	vm1 =	vmand vm13, vm14;
	vm7 =	vmand vm15, vm6;
	vm13 =	vge.s32 v15, v1  }
0x89: {  	vm14 =	vlt.s32 v15, v2;
	vm15 =	vge.s32 v3, v1;
	v9 =	vsel vm1, v20, v59;
	[tilespmem:$0x1F50] =	vst v7  }
0x8a: {  	v6 =	vsel vm7, v21, v60;
	[tilespmem:$0x1F80] =	vst v9;
	vm8 =	vge.s32 v23, v1;
	vm9 =	vlt.s32 v23, v2  }
0x8b: {  	v20 =	vsel vm12, v14, v62;
	v21 =	vor.u32 $0xC3D0, v0;
	[tilespmem:$0x1F90] =	vst v6;
	vm0 =	vmand vm8, vm9  }
0x8c: {  	vm12 =	vmand vm10, vm11;
	[tilespmem:$0x1FB0] =	vst v20;
	vm8 =	vmand vm13, vm14;
	v18 =	vsel vm0, v23, v61  }
0x8d: {  	vm9 =	vmand vm15, vm4;
	vm13 =	vge.s32 v19, v1;
	v22 =	vsel vm8, v15, v63;
	[tilespmem:$0x1FA0] =	vst v18  }
0x8e: {  	vm14 =	vlt.s32 v19, v2;
	v3 =	vsel vm9, v3, v21;
	v23 =	vor.u32 $0xC3E0, v0;
	[tilespmem:$0x1FC0] =	vst v22  }
0x8f: {  	vm15 =	vmand vm13, vm14;
	v4 =	vsel vm12, v17, v23;
	[tilespmem:$0x1FD0] =	vst v3;
	v3 =	vor.u32 $0xC3F0, v0  }
0x90: {  	[tilespmem:$0x1FE0] =	vst v4;
	v3 =	vsel vm15, v19, v3  }
0x91: {  	[tilespmem:$0x1FF0] =	vst v3  }
0x92: {  	[hbm4b:s6+s3] =	stream.linear.scatter [tilespmem:s3], [sflag:$0x1], $0x1800, $0x38;
	[tilespmem:$0x12000] =	vst v63  }
0x93: {  	_ = 	snop  }
0x94: {  	[hbm4b:s8+s3] =	stream.linear.scatter [tilespmem:s3], [sflag:$0x1], $0x1800, $0x38;
	[tilespmem:$0x12000] =	vst v63  }
0x95: {  	_ = 	snop  }
0x96: {  	[hbm4b:s9+s3] =	stream.linear.scatter [tilespmem:s3], [sflag:$0x1], $0x1800, $0x38;
	[tilespmem:$0x12000] =	vst v63  }
0x97: {  	_ = 	snop  }
0x98: {  	[hbm4b:s10+s3] =	stream.linear.scatter [tilespmem:s3], [sflag:$0x1], $0x1800, $0x38;
	[tilespmem:$0x12000] =	vst v63  }
0x99: {  	_ = 	snop  }
0x9a: {  	[hbm4b:s11+s3] =	stream.linear.scatter [tilespmem:s3], [sflag:$0x1], $0x1800, $0x38;
	[tilespmem:$0x12000] =	vst v63  }
0x9b: {  	_ = 	snop  }
0x9c: {  	[hbm4b:s12+s3] =	stream.linear.scatter [tilespmem:s3], [sflag:$0x1], $0x1800, $0x38;
	[tilespmem:$0x12000] =	vst v63  }
0x9d: {  	_ = 	snop  }
0x9e: {  	[hbm4b:s13+s3] =	stream.linear.scatter [tilespmem:s3], [sflag:$0x1], $0x1800, $0x38;
	[tilespmem:$0x12000] =	vst v63  }
0x9f: {  	_ = 	snop  }
0xa0: {  	[hbm4b:s14+s3] =	stream.linear.scatter [tilespmem:s3], [sflag:$0x1], $0x1800, $0x38;
	[tilespmem:$0x12000] =	vst v63  }
0xa1: {  	_ = 	snop  }
0xa2: {  	[hbm4b:s15+s3] =	stream.linear.scatter [tilespmem:s3], [sflag:$0x1], $0x1800, $0x38;
	[tilespmem:$0x12000] =	vst v63  }
0xa3: {  	_ = 	snop  }
0xa4: {  	[hbm4b:s16+s3] =	stream.linear.scatter [tilespmem:s3], [sflag:$0x1], $0x1800, $0x38;
	[tilespmem:$0x12000] =	vst v63  }
0xa5: {  	_ = 	snop  }
0xa6: {  	[hbm4b:s17+s3] =	stream.linear.scatter [tilespmem:s3], [sflag:$0x1], $0x1800, $0x38;
	[tilespmem:$0x12000] =	vst v63  }
0xa7: {  	_ = 	snop  }
0xa8: {  	[hbm4b:s18+s3] =	stream.linear.scatter [tilespmem:s3], [sflag:$0x1], $0x1800, $0x38;
	[tilespmem:$0x12000] =	vst v63  }
0xa9: {  	_ = 	snop  }
0xaa: {  	[hbm4b:s19+s3] =	stream.linear.scatter [tilespmem:s3], [sflag:$0x1], $0x1800, $0x38;
	[tilespmem:$0x12000] =	vst v63  }
0xab: {  	_ = 	snop  }
0xac: {  	[hbm4b:s20+s3] =	stream.linear.scatter [tilespmem:s3], [sflag:$0x1], $0x1800, $0x38;
	[tilespmem:$0x12000] =	vst v63  }
0xad: {  	_ = 	snop  }
0xae: {  	[hbm4b:s21+s3] =	stream.linear.scatter [tilespmem:s3], [sflag:$0x1], $0x1800, $0x38;
	[tilespmem:$0x12000] =	vst v63  }
0xaf: {  	_ = 	snop  }
0xb0: {  	[hbm4b:s22+s3] =	stream.linear.scatter [tilespmem:s3], [sflag:$0x1], $0x1800, $0x38;
	[tilespmem:$0x12000] =	vst v63  }
0xb1: {  	_ =	swait.ge [sflag:s28], $0x1800  }
0xb2: {  	[sflag:s28] =	ssyncset.done $0x0  }
0xb3: {  	[sflag:s28] =	ssyncadd.s32 $0xFFFFE800  }
0xb4: {  	_ =	swait.ge [sflag:s28], $0x1800  }
0xb5: {  	[sflag:s28] =	ssyncset.done $0x0  }
0xb6: {  	[sflag:s28] =	ssyncadd.s32 $0xFFFFE800  }
0xb7: {  	_ =	swait.ge [sflag:s28], $0x1800  }
0xb8: {  	[sflag:s28] =	ssyncset.done $0x0  }
0xb9: {  	[sflag:s28] =	ssyncadd.s32 $0xFFFFE800  }
0xba: {  	_ =	swait.ge [sflag:s28], $0x1800  }
0xbb: {  	[sflag:s28] =	ssyncset.done $0x0  }
0xbc: {  	[sflag:s28] =	ssyncadd.s32 $0xFFFFE800  }
0xbd: {  	_ =	swait.ge [sflag:s28], $0x1800  }
0xbe: {  	[sflag:s28] =	ssyncset.done $0x0  }
0xbf: {  	[sflag:s28] =	ssyncadd.s32 $0xFFFFE800  }
0xc0: {  	_ =	swait.ge [sflag:s28], $0x1800  }
0xc1: {  	[sflag:s28] =	ssyncset.done $0x0  }
0xc2: {  	[sflag:s28] =	ssyncadd.s32 $0xFFFFE800  }
0xc3: {  	_ =	swait.ge [sflag:s28], $0x1800  }
0xc4: {  	[sflag:s28] =	ssyncset.done $0x0  }
0xc5: {  	[sflag:s28] =	ssyncadd.s32 $0xFFFFE800  }
0xc6: {  	_ =	swait.ge [sflag:s28], $0x1800  }
0xc7: {  	[sflag:s28] =	ssyncset.done $0x0  }
0xc8: {  	[sflag:s28] =	ssyncadd.s32 $0xFFFFE800  }
0xc9: {  	_ =	swait.ge [sflag:s28], $0x1800  }
0xca: {  	[sflag:s28] =	ssyncset.done $0x0  }
0xcb: {  	[sflag:s28] =	ssyncadd.s32 $0xFFFFE800  }
0xcc: {  	_ =	swait.ge [sflag:s28], $0x1800  }
0xcd: {  	[sflag:s28] =	ssyncset.done $0x0  }
0xce: {  	[sflag:s28] =	ssyncadd.s32 $0xFFFFE800  }
0xcf: {  	_ =	swait.ge [sflag:s28], $0x1800  }
0xd0: {  	[sflag:s28] =	ssyncset.done $0x0  }
0xd1: {  	[sflag:s28] =	ssyncadd.s32 $0xFFFFE800  }
0xd2: {  	_ =	swait.ge [sflag:s28], $0x1800  }
0xd3: {  	[sflag:s28] =	ssyncset.done $0x0  }
0xd4: {  	[sflag:s28] =	ssyncadd.s32 $0xFFFFE800  }
0xd5: {  	_ =	swait.ge [sflag:s28], $0x1800  }
0xd6: {  	[sflag:s28] =	ssyncset.done $0x0  }
0xd7: {  	[sflag:s28] =	ssyncadd.s32 $0xFFFFE800  }
0xd8: {  	_ =	swait.ge [sflag:s28], $0x1800  }
0xd9: {  	[sflag:s28] =	ssyncset.done $0x0  }
0xda: {  	[sflag:s28] =	ssyncadd.s32 $0xFFFFE800  }
0xdb: {  	_ =	swait.ge [sflag:s28], $0x1800  }
0xdc: {  	[sflag:s28] =	ssyncset.done $0x0  }
0xdd: {  	[sflag:s28] =	ssyncadd.s32 $0xFFFFE800  }
0xde: {  	_ =	swait.ge [sflag:s28], $0x1800  }
0xdf: {  	p0 =	sne.s32 s23, $0x1;
	[sflag:s28] =	ssyncset.done $0x0  }
.Ltmp0:
0xe0: {  	[sflag:s28] =	ssyncadd.s32 $0xFFFFE800;
	(pc) =	sbr.rel @p0 .LBB2_1-.Ltmp0, $4  }
0xe1: {  	[hbm4b:s5+s29] =	stream.indirect.scatter [tilespmem:s26], [sflag:$0x2], $0x40, s30, s29, $0xb8;
	[tilespmem:$0x12000] =	vst v63  }
0xe2: {  	_ =	swait.ge [sflag:s31], $0x10000  }
0xe3: {  	[sflag:s31] =	ssyncset.done $0x0  }
0xe4: {  	s23 =	sadd.s32 $0xFFFFFFFF, s23;
	[sflag:s31] =	ssyncadd.s32 $0xFFFF0000  }
0xe5: {  	_ =	sfence.sel $0x180000  }
0xe6: {  	[bflag:$0x0] =	sbarrier.arrive $0xFFFF  }
0xe7: {  	p0 =	sne.s32 s0, $0x0;
	_ =	strace $0x90000047  }
0xe8: {  	s0 =	sadd.s32 @!p0 $0x100000, s1;
	[bflag:$0x2] =	sbarrier.arrive $0xFFFF  }
0xe9: {  	[sflag:s0] =	ssyncadd.tile.s32 @!p0 $0x1;
	_ =	shalt  }
.Lfunc_end2:
_tile_overlayer_lowered:
.L_overlay_start_2:
0xea: {  	(tag) =	ssettag $0x2  }
0xeb: {  	s0 =	rddreg [dreg:$0x0];
	s2 =	stileid.u32  }
0xec: {  	s1 =	rddreg [dreg:$0x1];
	p0 =	sne.s32 s2, $0x0  }
0xed: {  	s3 =	rddreg [dreg:$0x2];
	[bflag:$0x3] =	sbarrier.arrive $0xFFFF;
	s2 =	simm.s32 @!p0 $0x1C03  }
0xee: {  	[timem:s3], [sflag:s2] =	dma.local @!p0 [hbm:s0], s1  }
0xef: {  	s0 =	simm.s32 @!p0 $0x3  }
0xf0: {  	_ =	swait.ge @!p0 [sflag:s0], s1  }
0xf1: {  	s1 =	ssub.s32 @!p0 $0x0, s1;
	[sflag:s0] =	ssyncset.done @!p0 $0x0  }
0xf2: {  	[sflag:s0] =	ssyncadd.s32 @!p0 s1  }
0xf3: {  	[bflag:$0x3] =	sbarrier.arrive $0xFFFF  }
0xf4: {  	_ =	shalt  }

</sc_bundles>
